<compile_context>
chip_gen: v7x
topology: tpu7x:2x2x1
jax: 0.10.2.dev20260603
libtpu: 0.0.44.dev20260713+nightly
codegen_flags: <defaults>
</compile_context>

<pallas_src>
import jax
import jax.numpy as jnp
from jax import lax
from jax.experimental import pallas as pl
from jax.experimental.pallas import tpu as pltpu
from jax.experimental.pallas import tpu_sc as plsc

_TOKENS = 8192
_CHANNELS = 4096
_NEURONS = 2048
_ORDERS = 4
_NC = 2
_NS = 16
_NW = _NC * _NS

_TOK_SC = 5120
_TOK_TC = _TOKENS - _TOK_SC

_ROWS = _TOK_SC // _NW
_CHUNK = 8
_NCHUNK = _ROWS // _CHUNK
_LANES = 16
_JBLK = _NEURONS // _LANES

_BT = 256
_BC = 512


def _sc_body(x_hbm, ord_hbm, out_hbm, ord_v,
             in0_v, in1_v, out0_v, out1_v,
             isem0, isem1, osem0, osem1):
    cid = lax.axis_index("c")
    sid = lax.axis_index("s")
    wid = sid * _NC + cid
    row0 = wid * _ROWS

    pltpu.sync_copy(ord_hbm, ord_v)

    def in_src(ci):
        return x_hbm.at[pl.ds(row0 + ci * _CHUNK, _CHUNK)]

    def out_dst(ci):
        return out_hbm.at[pl.ds(row0 + ci * _CHUNK, _CHUNK)]

    def compute(in_v, out_v):
        @plsc.parallel_loop(0, _JBLK, unroll=1)
        def jb_body(jb):
            j16 = jb * _LANES
            idx = [ord_v[i, pl.ds(j16, _LANES)] for i in range(_ORDERS)]
            for r in range(_CHUNK):
                rvec = jnp.full((_LANES,), r, jnp.int32)
                acc = plsc.load_gather(in_v, [rvec, idx[0]])
                for i in range(1, _ORDERS):
                    acc = acc + plsc.load_gather(in_v, [rvec, idx[i]])
                out_v[r, pl.ds(j16, _LANES)] = acc * 0.25

    pltpu.async_copy(in_src(0), in0_v, isem0)

    def chunk_pair(k, _):
        ci0 = 2 * k
        ci1 = ci0 + 1

        pltpu.async_copy(in_src(ci1), in1_v, isem1)
        pltpu.make_async_copy(in_src(ci0), in0_v, isem0).wait()

        @pl.when(k > 0)
        def _():
            pltpu.make_async_copy(out0_v, out_dst(ci0), osem0).wait()

        compute(in0_v, out0_v)
        pltpu.async_copy(out0_v, out_dst(ci0), osem0)

        @pl.when(ci0 + 2 < _NCHUNK)
        def _():
            pltpu.async_copy(in_src(ci0 + 2), in0_v, isem0)

        pltpu.make_async_copy(in_src(ci1), in1_v, isem1).wait()

        @pl.when(k > 0)
        def _():
            pltpu.make_async_copy(out1_v, out_dst(ci1), osem1).wait()

        compute(in1_v, out1_v)
        pltpu.async_copy(out1_v, out_dst(ci1), osem1)
        return 0

    lax.fori_loop(0, _NCHUNK // 2, chunk_pair, 0)

    pltpu.make_async_copy(out0_v, out_dst(_NCHUNK - 2), osem0).wait()
    pltpu.make_async_copy(out1_v, out_dst(_NCHUNK - 1), osem1).wait()


def _sc_call(x, orders):
    mesh = plsc.VectorSubcoreMesh(
        core_axis_name="c", subcore_axis_name="s",
        num_cores=_NC, num_subcores=_NS)
    f = pl.kernel(
        _sc_body,
        out_type=jax.ShapeDtypeStruct((_TOKENS, _NEURONS), jnp.float32),
        mesh=mesh,
        scratch_types=[
            pltpu.VMEM((_ORDERS, _NEURONS), jnp.int32),
            pltpu.VMEM((_CHUNK, _CHANNELS), jnp.float32),
            pltpu.VMEM((_CHUNK, _CHANNELS), jnp.float32),
            pltpu.VMEM((_CHUNK, _NEURONS), jnp.float32),
            pltpu.VMEM((_CHUNK, _NEURONS), jnp.float32),
            pltpu.SemaphoreType.DMA,
            pltpu.SemaphoreType.DMA,
            pltpu.SemaphoreType.DMA,
            pltpu.SemaphoreType.DMA,
        ],
        compiler_params=pltpu.CompilerParams(needs_layout_passes=False),
    )
    return f(x, orders)


def _s_build_body(ord_ref, s_ref):
    c0 = pl.program_id(0) * _BC
    cc = lax.broadcasted_iota(jnp.int32, (_BC, _NEURONS), 0) + c0
    acc = jnp.zeros((_BC, _NEURONS), jnp.float32)
    for i in range(_ORDERS):
        acc += jnp.where(cc == ord_ref[i, :][None, :], 0.25, 0.0)
    s_ref[...] = acc.astype(jnp.bfloat16)


def _s_build(orders):
    return pl.pallas_call(
        _s_build_body,
        grid=(_CHANNELS // _BC,),
        in_specs=[pl.BlockSpec(memory_space=pltpu.VMEM)],
        out_specs=pl.BlockSpec((_BC, _NEURONS), lambda i: (i, 0)),
        out_shape=jax.ShapeDtypeStruct((_CHANNELS, _NEURONS), jnp.bfloat16),
    )(orders)


def _mm_body(x_ref, s_ref, o_ref):
    xb = x_ref[...].astype(jnp.bfloat16)
    o_ref[...] = jnp.dot(xb, s_ref[...],
                         preferred_element_type=jnp.float32)


def _tc_matmul(x, s):
    return pl.pallas_call(
        _mm_body,
        grid=(_TOK_TC // _BT,),
        in_specs=[
            pl.BlockSpec((_BT, _CHANNELS),
                         lambda i: (i + _TOK_SC // _BT, 0)),
            pl.BlockSpec((_CHANNELS, _NEURONS), lambda i: (0, 0)),
        ],
        out_specs=pl.BlockSpec((_BT, _NEURONS), lambda i: (i, 0)),
        out_shape=jax.ShapeDtypeStruct((_TOK_TC, _NEURONS), jnp.float32),
    )(x, s)


def kernel(x, orders):
    sc_out = _sc_call(x, orders)
    s = _s_build(orders)
    tc_out = _tc_matmul(x, s)
    return lax.dynamic_update_slice(sc_out, tc_out, (_TOK_SC, 0))

# --- scband reference (transcript-rebuilt; emitter-appended) ---
"""Pipeline reference for scband-shortcut-restore-66168266162797 (READ-ONLY COPY).

The authoritative reference and input builder live on the scoring server;
editing this copy changes nothing except your own understanding.
"""

import jax, jax.numpy as jnp
import numpy as np

NUM_NEURONS = 2048
NUM_CHANNELS = 4096
NUM_TOKENS = 8192
NUM_ORDERS = 4


def setup_inputs(seed: int = 0) -> dict:
    key = jax.random.key(seed)
    k1, k2 = jax.random.split(key)
    x = jax.random.normal(k1, (NUM_TOKENS, NUM_CHANNELS), dtype=jnp.float32)
    # input_orders: each row is a vector of channel indices of length num_neurons
    orders = jax.random.randint(k2, (NUM_ORDERS, NUM_NEURONS), 0, NUM_CHANNELS, dtype=jnp.int32)
    return {"x": x, "orders": orders}


def reference(x, orders):
    # Faithful translation of _ShortcutRestore.forward (non-client branch):
    # restored_out = zeros([B, num_neurons]); for order in input_orders:
    #   restored_out += index_select(x, 1, order); restored_out /= len(input_orders)
    n_orders = orders.shape[0]
    restored_out = jnp.zeros((x.shape[0], NUM_NEURONS), dtype=x.dtype)
    for i in range(n_orders):
        restored_out = restored_out + jnp.take(x, orders[i], axis=1)
    restored_out = restored_out / n_orders
    return restored_out

if __name__ == "__main__":
    import jax
    _d = setup_inputs()
    print(jax.jit(kernel)(*tuple(_d.values())))

</pallas_src>

<mosaic_0001>
#map = affine_map<(d0, d1) -> (0, 0)>
module attributes {stable_mosaic.version = 14 : i64} {
  func.func @_sc_body(%arg0: i32, %arg1: i32, %arg2: memref<8192x4096xf32, #tpu.memory_space<hbm>>, %arg3: memref<4x2048xi32, #tpu.memory_space<hbm>>, %arg4: memref<8192x2048xf32, #tpu.memory_space<hbm>>, %arg5: memref<4x2048xi32, #tpu.memory_space<vmem>>, %arg6: memref<8x4096xf32, #tpu.memory_space<vmem>>, %arg7: memref<8x4096xf32, #tpu.memory_space<vmem>>, %arg8: memref<8x2048xf32, #tpu.memory_space<vmem>>, %arg9: memref<8x2048xf32, #tpu.memory_space<vmem>>, %arg10: memref<!tpu.dma_semaphore, #tpu.memory_space<semaphore_mem>>, %arg11: memref<!tpu.dma_semaphore, #tpu.memory_space<semaphore_mem>>, %arg12: memref<!tpu.dma_semaphore, #tpu.memory_space<semaphore_mem>>, %arg13: memref<!tpu.dma_semaphore, #tpu.memory_space<semaphore_mem>>) attributes {dimension_semantics = [#tpu.dimension_semantics<core_parallel>, #tpu.dimension_semantics<subcore_parallel>], iteration_bounds = array<i64: 2, 16>, scalar_prefetch = 0 : i64, scratch_operands = 9 : i64, tpu.core_type = #tpu.core_type<sc_vector_subcore>, window_params = [{transform_indices = #map}, {transform_indices = #map}, {transform_indices = #map}]} {
    %mul3A = arith.constant 2 : i32
    %mul3A_0 = arith.muli %arg1, %mul3A : i32
    %add3A = arith.addi %mul3A_0, %arg0 : i32
    %mul3A_1 = arith.constant 160 : i32
    %mul3A_2 = arith.muli %add3A, %mul3A_1 : i32
    "tpu.region"() ({
      %run_scoped3A = tpu.sem_alloc : memref<!tpu.dma_semaphore, #tpu.memory_space<semaphore_mem>>
      tpu.enqueue_dma source(%arg3 : memref<4x2048xi32, #tpu.memory_space<hbm>>) target(%arg5 : memref<4x2048xi32, #tpu.memory_space<vmem>>) target_semaphore(%run_scoped3A : memref<!tpu.dma_semaphore, #tpu.memory_space<semaphore_mem>>)
      tpu.wait_dma2 semaphore(%run_scoped3A : memref<!tpu.dma_semaphore, #tpu.memory_space<semaphore_mem>>) src(%arg3 : memref<4x2048xi32, #tpu.memory_space<hbm>>) dst(%arg5 : memref<4x2048xi32, #tpu.memory_space<vmem>>)
      tpu.yield
    }) : () -> ()
    %add3A_3 = arith.constant 0 : i32
    %add3A_4 = arith.addi %mul3A_2, %add3A_3 : i32
    %dma_start3A = arith.constant 0 : i32
    %dma_start3A_5 = tpu.memref_slice %arg2[%add3A_4, %dma_start3A] : memref<8192x4096xf32, #tpu.memory_space<hbm>> -> memref<8x4096xf32, #tpu.memory_space<hbm>>
    %dma_start3A_6 = arith.constant 0 : i32
    %dma_start3A_7 = tpu.memref_slice %arg2[%add3A_4, %dma_start3A_6] : memref<8192x4096xf32, #tpu.memory_space<hbm>> -> memref<8x4096xf32, #tpu.memory_space<hbm>>
    tpu.enqueue_dma source(%dma_start3A_7 : memref<8x4096xf32, #tpu.memory_space<hbm>>) target(%arg6 : memref<8x4096xf32, #tpu.memory_space<vmem>>) target_semaphore(%arg10 : memref<!tpu.dma_semaphore, #tpu.memory_space<semaphore_mem>>)
    %scan3A = arith.constant 0 : i32
    %scan3A_8 = arith.constant 0 : i32
    %scan3A_9 = arith.constant 10 : i32
    %scan3A_10 = arith.addi %scan3A_8, %scan3A_9 : i32
    %scan3A_11 = arith.constant 1 : i32
    %scan3A_12 = scf.for %scan3A_25 = %scan3A_8 to %scan3A_10 step %scan3A_11 iter_args(%scan3A_26 = %scan3A) -> (i32)  : i32 {
      %mul3A_27 = arith.constant 2 : i32
      %mul3A_28 = arith.muli %mul3A_27, %scan3A_25 : i32
      %add3A_29 = arith.constant 1 : i32
      %add3A_30 = arith.addi %mul3A_28, %add3A_29 : i32
      %mul3A_31 = arith.constant 8 : i32
      %mul3A_32 = arith.muli %add3A_30, %mul3A_31 : i32
      %add3A_33 = arith.addi %mul3A_2, %mul3A_32 : i32
      %dma_start3A_34 = arith.constant 0 : i32
      %dma_start3A_35 = tpu.memref_slice %arg2[%add3A_33, %dma_start3A_34] : memref<8192x4096xf32, #tpu.memory_space<hbm>> -> memref<8x4096xf32, #tpu.memory_space<hbm>>
      %dma_start3A_36 = arith.constant 0 : i32
      %dma_start3A_37 = tpu.memref_slice %arg2[%add3A_33, %dma_start3A_36] : memref<8192x4096xf32, #tpu.memory_space<hbm>> -> memref<8x4096xf32, #tpu.memory_space<hbm>>
      tpu.enqueue_dma source(%dma_start3A_37 : memref<8x4096xf32, #tpu.memory_space<hbm>>) target(%arg7 : memref<8x4096xf32, #tpu.memory_space<vmem>>) target_semaphore(%arg11 : memref<!tpu.dma_semaphore, #tpu.memory_space<semaphore_mem>>)
      %mul3A_38 = arith.constant 8 : i32
      %mul3A_39 = arith.muli %mul3A_28, %mul3A_38 : i32
      %add3A_40 = arith.addi %mul3A_2, %mul3A_39 : i32
      %dma_wait3A_41 = arith.constant 0 : i32
      %dma_wait3A_42 = tpu.memref_slice %arg2[%add3A_40, %dma_wait3A_41] : memref<8192x4096xf32, #tpu.memory_space<hbm>> -> memref<8x4096xf32, #tpu.memory_space<hbm>>
      %dma_wait3A_43 = arith.constant 0 : i32
      %dma_wait3A_44 = tpu.memref_slice %arg2[%add3A_40, %dma_wait3A_43] : memref<8192x4096xf32, #tpu.memory_space<hbm>> -> memref<8x4096xf32, #tpu.memory_space<hbm>>
      tpu.wait_dma2 semaphore(%arg10 : memref<!tpu.dma_semaphore, #tpu.memory_space<semaphore_mem>>) src(%dma_wait3A_44 : memref<8x4096xf32, #tpu.memory_space<hbm>>) dst(%arg6 : memref<8x4096xf32, #tpu.memory_space<vmem>>)
      %gt3A = arith.constant 0 : i32
      %gt3A_45 = arith.cmpi sgt, %scan3A_25, %gt3A : i32
      %convert_element_type3A = arith.extui %gt3A_45 : i1 to i32
      %cond3A = arith.constant 0 : i32
      %cond3A_46 = arith.cmpi ne, %convert_element_type3A, %cond3A : i32
      scf.if %cond3A_46 {
        %mul3A_85 = arith.constant 8 : i32
        %mul3A_86 = arith.muli %mul3A_28, %mul3A_85 : i32
        %add3A_87 = arith.addi %mul3A_2, %mul3A_86 : i32
        %dma_wait3A_88 = arith.constant 0 : i32
        %dma_wait3A_89 = tpu.memref_slice %arg4[%add3A_87, %dma_wait3A_88] : memref<8192x2048xf32, #tpu.memory_space<hbm>> -> memref<8x2048xf32, #tpu.memory_space<hbm>>
        %dma_wait3A_90 = arith.constant 0 : i32
        %dma_wait3A_91 = tpu.memref_slice %arg4[%add3A_87, %dma_wait3A_90] : memref<8192x2048xf32, #tpu.memory_space<hbm>> -> memref<8x2048xf32, #tpu.memory_space<hbm>>
        tpu.wait_dma2 semaphore(%arg12 : memref<!tpu.dma_semaphore, #tpu.memory_space<semaphore_mem>>) src(%arg8 : memref<8x2048xf32, #tpu.memory_space<vmem>>) dst(%dma_wait3A_91 : memref<8x2048xf32, #tpu.memory_space<hbm>>)
      } else {
      }
      %parallel_loop3A = arith.constant 0 : i32
      %parallel_loop3A_47 = arith.constant 128 : i32
      %parallel_loop3A_48 = arith.constant 1 : i32
      scf.for %parallel_loop3A_85 = %parallel_loop3A to %parallel_loop3A_47 step %parallel_loop3A_48  : i32 {
        %parallel_loop3A_86 = arith.constant 16 : i32
        %parallel_loop3A_87 = arith.muli %parallel_loop3A_85, %parallel_loop3A_86 : i32
        %parallel_loop3A_88 = arith.constant 0 : i32
        %parallel_loop3A_89 = arith.index_cast %parallel_loop3A_88 : i32 to index
        %parallel_loop3A_90 = arith.index_cast %parallel_loop3A_87 : i32 to index
        %parallel_loop3A_91 = tpu.vector_load %arg5[%parallel_loop3A_89, %parallel_loop3A_90] {strides = array<i32>} : memref<4x2048xi32, #tpu.memory_space<vmem>>, vector<16xi32>,
        %parallel_loop3A_92 = arith.constant 1 : i32
        %parallel_loop3A_93 = arith.index_cast %parallel_loop3A_92 : i32 to index
        %parallel_loop3A_94 = arith.index_cast %parallel_loop3A_87 : i32 to index
        %parallel_loop3A_95 = tpu.vector_load %arg5[%parallel_loop3A_93, %parallel_loop3A_94] {strides = array<i32>} : memref<4x2048xi32, #tpu.memory_space<vmem>>, vector<16xi32>,
        %parallel_loop3A_96 = arith.constant 2 : i32
        %parallel_loop3A_97 = arith.index_cast %parallel_loop3A_96 : i32 to index
        %parallel_loop3A_98 = arith.index_cast %parallel_loop3A_87 : i32 to index
        %parallel_loop3A_99 = tpu.vector_load %arg5[%parallel_loop3A_97, %parallel_loop3A_98] {strides = array<i32>} : memref<4x2048xi32, #tpu.memory_space<vmem>>, vector<16xi32>,
        %parallel_loop3A_100 = arith.constant 3 : i32
        %parallel_loop3A_101 = arith.index_cast %parallel_loop3A_100 : i32 to index
        %parallel_loop3A_102 = arith.index_cast %parallel_loop3A_87 : i32 to index
        %parallel_loop3A_103 = tpu.vector_load %arg5[%parallel_loop3A_101, %parallel_loop3A_102] {strides = array<i32>} : memref<4x2048xi32, #tpu.memory_space<vmem>>, vector<16xi32>,
        %parallel_loop3A_104 = arith.constant 0 : i32
        %parallel_loop3A_105 = vector.broadcast %parallel_loop3A_104 : i32 to vector<16xi32>
        %parallel_loop3A_106 = tpu.vector_load_idx %arg6[%parallel_loop3A_105, %parallel_loop3A_91] : memref<8x4096xf32, #tpu.memory_space<vmem>>[vector<16xi32>, vector<16xi32>], vector<16xf32>,
        %parallel_loop3A_107 = tpu.vector_load_idx %arg6[%parallel_loop3A_105, %parallel_loop3A_95] : memref<8x4096xf32, #tpu.memory_space<vmem>>[vector<16xi32>, vector<16xi32>], vector<16xf32>,
        %parallel_loop3A_108 = arith.addf %parallel_loop3A_106, %parallel_loop3A_107 : vector<16xf32>
        %parallel_loop3A_109 = tpu.vector_load_idx %arg6[%parallel_loop3A_105, %parallel_loop3A_99] : memref<8x4096xf32, #tpu.memory_space<vmem>>[vector<16xi32>, vector<16xi32>], vector<16xf32>,
        %parallel_loop3A_110 = arith.addf %parallel_loop3A_108, %parallel_loop3A_109 : vector<16xf32>
        %parallel_loop3A_111 = tpu.vector_load_idx %arg6[%parallel_loop3A_105, %parallel_loop3A_103] : memref<8x4096xf32, #tpu.memory_space<vmem>>[vector<16xi32>, vector<16xi32>], vector<16xf32>,
        %parallel_loop3A_112 = arith.addf %parallel_loop3A_110, %parallel_loop3A_111 : vector<16xf32>
        %parallel_loop3A_113 = arith.constant 2.500000e-01 : f32
        %parallel_loop3A_114 = vector.broadcast %parallel_loop3A_113 : f32 to vector<16xf32>
        %parallel_loop3A_115 = arith.mulf %parallel_loop3A_112, %parallel_loop3A_114 : vector<16xf32>
        %parallel_loop3A_116 = arith.constant 0 : i32
        %parallel_loop3A_117 = arith.index_cast %parallel_loop3A_116 : i32 to index
        %parallel_loop3A_118 = arith.index_cast %parallel_loop3A_87 : i32 to index
        %parallel_loop3A_119 = tpu.vector_load %arg8[%parallel_loop3A_117, %parallel_loop3A_118] {strides = array<i32>} : memref<8x2048xf32, #tpu.memory_space<vmem>>, vector<16xf32>,
        tpu.vector_store %arg8[%parallel_loop3A_117, %parallel_loop3A_118], %parallel_loop3A_115 {strides = array<i32>} : memref<8x2048xf32, #tpu.memory_space<vmem>>, vector<16xf32>,
        %parallel_loop3A_120 = arith.constant 1 : i32
        %parallel_loop3A_121 = vector.broadcast %parallel_loop3A_120 : i32 to vector<16xi32>
        %parallel_loop3A_122 = tpu.vector_load_idx %arg6[%parallel_loop3A_121, %parallel_loop3A_91] : memref<8x4096xf32, #tpu.memory_space<vmem>>[vector<16xi32>, vector<16xi32>], vector<16xf32>,
        %parallel_loop3A_123 = tpu.vector_load_idx %arg6[%parallel_loop3A_121, %parallel_loop3A_95] : memref<8x4096xf32, #tpu.memory_space<vmem>>[vector<16xi32>, vector<16xi32>], vector<16xf32>,
        %parallel_loop3A_124 = arith.addf %parallel_loop3A_122, %parallel_loop3A_123 : vector<16xf32>
        %parallel_loop3A_125 = tpu.vector_load_idx %arg6[%parallel_loop3A_121, %parallel_loop3A_99] : memref<8x4096xf32, #tpu.memory_space<vmem>>[vector<16xi32>, vector<16xi32>], vector<16xf32>,
        %parallel_loop3A_126 = arith.addf %parallel_loop3A_124, %parallel_loop3A_125 : vector<16xf32>
        %parallel_loop3A_127 = tpu.vector_load_idx %arg6[%parallel_loop3A_121, %parallel_loop3A_103] : memref<8x4096xf32, #tpu.memory_space<vmem>>[vector<16xi32>, vector<16xi32>], vector<16xf32>,
        %parallel_loop3A_128 = arith.addf %parallel_loop3A_126, %parallel_loop3A_127 : vector<16xf32>
        %parallel_loop3A_129 = arith.constant 2.500000e-01 : f32
        %parallel_loop3A_130 = vector.broadcast %parallel_loop3A_129 : f32 to vector<16xf32>
        %parallel_loop3A_131 = arith.mulf %parallel_loop3A_128, %parallel_loop3A_130 : vector<16xf32>
        %parallel_loop3A_132 = arith.constant 1 : i32
        %parallel_loop3A_133 = arith.index_cast %parallel_loop3A_132 : i32 to index
        %parallel_loop3A_134 = arith.index_cast %parallel_loop3A_87 : i32 to index
        %parallel_loop3A_135 = tpu.vector_load %arg8[%parallel_loop3A_133, %parallel_loop3A_134] {strides = array<i32>} : memref<8x2048xf32, #tpu.memory_space<vmem>>, vector<16xf32>,
        tpu.vector_store %arg8[%parallel_loop3A_133, %parallel_loop3A_134], %parallel_loop3A_131 {strides = array<i32>} : memref<8x2048xf32, #tpu.memory_space<vmem>>, vector<16xf32>,
        %parallel_loop3A_136 = arith.constant 2 : i32
        %parallel_loop3A_137 = vector.broadcast %parallel_loop3A_136 : i32 to vector<16xi32>
        %parallel_loop3A_138 = tpu.vector_load_idx %arg6[%parallel_loop3A_137, %parallel_loop3A_91] : memref<8x4096xf32, #tpu.memory_space<vmem>>[vector<16xi32>, vector<16xi32>], vector<16xf32>,
        %parallel_loop3A_139 = tpu.vector_load_idx %arg6[%parallel_loop3A_137, %parallel_loop3A_95] : memref<8x4096xf32, #tpu.memory_space<vmem>>[vector<16xi32>, vector<16xi32>], vector<16xf32>,
        %parallel_loop3A_140 = arith.addf %parallel_loop3A_138, %parallel_loop3A_139 : vector<16xf32>
        %parallel_loop3A_141 = tpu.vector_load_idx %arg6[%parallel_loop3A_137, %parallel_loop3A_99] : memref<8x4096xf32, #tpu.memory_space<vmem>>[vector<16xi32>, vector<16xi32>], vector<16xf32>,
        %parallel_loop3A_142 = arith.addf %parallel_loop3A_140, %parallel_loop3A_141 : vector<16xf32>
        %parallel_loop3A_143 = tpu.vector_load_idx %arg6[%parallel_loop3A_137, %parallel_loop3A_103] : memref<8x4096xf32, #tpu.memory_space<vmem>>[vector<16xi32>, vector<16xi32>], vector<16xf32>,
        %parallel_loop3A_144 = arith.addf %parallel_loop3A_142, %parallel_loop3A_143 : vector<16xf32>
        %parallel_loop3A_145 = arith.constant 2.500000e-01 : f32
        %parallel_loop3A_146 = vector.broadcast %parallel_loop3A_145 : f32 to vector<16xf32>
        %parallel_loop3A_147 = arith.mulf %parallel_loop3A_144, %parallel_loop3A_146 : vector<16xf32>
        %parallel_loop3A_148 = arith.constant 2 : i32
        %parallel_loop3A_149 = arith.index_cast %parallel_loop3A_148 : i32 to index
        %parallel_loop3A_150 = arith.index_cast %parallel_loop3A_87 : i32 to index
        %parallel_loop3A_151 = tpu.vector_load %arg8[%parallel_loop3A_149, %parallel_loop3A_150] {strides = array<i32>} : memref<8x2048xf32, #tpu.memory_space<vmem>>, vector<16xf32>,
        tpu.vector_store %arg8[%parallel_loop3A_149, %parallel_loop3A_150], %parallel_loop3A_147 {strides = array<i32>} : memref<8x2048xf32, #tpu.memory_space<vmem>>, vector<16xf32>,
        %parallel_loop3A_152 = arith.constant 3 : i32
        %parallel_loop3A_153 = vector.broadcast %parallel_loop3A_152 : i32 to vector<16xi32>
        %parallel_loop3A_154 = tpu.vector_load_idx %arg6[%parallel_loop3A_153, %parallel_loop3A_91] : memref<8x4096xf32, #tpu.memory_space<vmem>>[vector<16xi32>, vector<16xi32>], vector<16xf32>,
        %parallel_loop3A_155 = tpu.vector_load_idx %arg6[%parallel_loop3A_153, %parallel_loop3A_95] : memref<8x4096xf32, #tpu.memory_space<vmem>>[vector<16xi32>, vector<16xi32>], vector<16xf32>,
        %parallel_loop3A_156 = arith.addf %parallel_loop3A_154, %parallel_loop3A_155 : vector<16xf32>
        %parallel_loop3A_157 = tpu.vector_load_idx %arg6[%parallel_loop3A_153, %parallel_loop3A_99] : memref<8x4096xf32, #tpu.memory_space<vmem>>[vector<16xi32>, vector<16xi32>], vector<16xf32>,
        %parallel_loop3A_158 = arith.addf %parallel_loop3A_156, %parallel_loop3A_157 : vector<16xf32>
        %parallel_loop3A_159 = tpu.vector_load_idx %arg6[%parallel_loop3A_153, %parallel_loop3A_103] : memref<8x4096xf32, #tpu.memory_space<vmem>>[vector<16xi32>, vector<16xi32>], vector<16xf32>,
        %parallel_loop3A_160 = arith.addf %parallel_loop3A_158, %parallel_loop3A_159 : vector<16xf32>
        %parallel_loop3A_161 = arith.constant 2.500000e-01 : f32
        %parallel_loop3A_162 = vector.broadcast %parallel_loop3A_161 : f32 to vector<16xf32>
        %parallel_loop3A_163 = arith.mulf %parallel_loop3A_160, %parallel_loop3A_162 : vector<16xf32>
        %parallel_loop3A_164 = arith.constant 3 : i32
        %parallel_loop3A_165 = arith.index_cast %parallel_loop3A_164 : i32 to index
        %parallel_loop3A_166 = arith.index_cast %parallel_loop3A_87 : i32 to index
        %parallel_loop3A_167 = tpu.vector_load %arg8[%parallel_loop3A_165, %parallel_loop3A_166] {strides = array<i32>} : memref<8x2048xf32, #tpu.memory_space<vmem>>, vector<16xf32>,
        tpu.vector_store %arg8[%parallel_loop3A_165, %parallel_loop3A_166], %parallel_loop3A_163 {strides = array<i32>} : memref<8x2048xf32, #tpu.memory_space<vmem>>, vector<16xf32>,
        %parallel_loop3A_168 = arith.constant 4 : i32
        %parallel_loop3A_169 = vector.broadcast %parallel_loop3A_168 : i32 to vector<16xi32>
        %parallel_loop3A_170 = tpu.vector_load_idx %arg6[%parallel_loop3A_169, %parallel_loop3A_91] : memref<8x4096xf32, #tpu.memory_space<vmem>>[vector<16xi32>, vector<16xi32>], vector<16xf32>,
        %parallel_loop3A_171 = tpu.vector_load_idx %arg6[%parallel_loop3A_169, %parallel_loop3A_95] : memref<8x4096xf32, #tpu.memory_space<vmem>>[vector<16xi32>, vector<16xi32>], vector<16xf32>,
        %parallel_loop3A_172 = arith.addf %parallel_loop3A_170, %parallel_loop3A_171 : vector<16xf32>
        %parallel_loop3A_173 = tpu.vector_load_idx %arg6[%parallel_loop3A_169, %parallel_loop3A_99] : memref<8x4096xf32, #tpu.memory_space<vmem>>[vector<16xi32>, vector<16xi32>], vector<16xf32>,
        %parallel_loop3A_174 = arith.addf %parallel_loop3A_172, %parallel_loop3A_173 : vector<16xf32>
        %parallel_loop3A_175 = tpu.vector_load_idx %arg6[%parallel_loop3A_169, %parallel_loop3A_103] : memref<8x4096xf32, #tpu.memory_space<vmem>>[vector<16xi32>, vector<16xi32>], vector<16xf32>,
        %parallel_loop3A_176 = arith.addf %parallel_loop3A_174, %parallel_loop3A_175 : vector<16xf32>
        %parallel_loop3A_177 = arith.constant 2.500000e-01 : f32
        %parallel_loop3A_178 = vector.broadcast %parallel_loop3A_177 : f32 to vector<16xf32>
        %parallel_loop3A_179 = arith.mulf %parallel_loop3A_176, %parallel_loop3A_178 : vector<16xf32>
        %parallel_loop3A_180 = arith.constant 4 : i32
        %parallel_loop3A_181 = arith.index_cast %parallel_loop3A_180 : i32 to index
        %parallel_loop3A_182 = arith.index_cast %parallel_loop3A_87 : i32 to index
        %parallel_loop3A_183 = tpu.vector_load %arg8[%parallel_loop3A_181, %parallel_loop3A_182] {strides = array<i32>} : memref<8x2048xf32, #tpu.memory_space<vmem>>, vector<16xf32>,
        tpu.vector_store %arg8[%parallel_loop3A_181, %parallel_loop3A_182], %parallel_loop3A_179 {strides = array<i32>} : memref<8x2048xf32, #tpu.memory_space<vmem>>, vector<16xf32>,
        %parallel_loop3A_184 = arith.constant 5 : i32
        %parallel_loop3A_185 = vector.broadcast %parallel_loop3A_184 : i32 to vector<16xi32>
        %parallel_loop3A_186 = tpu.vector_load_idx %arg6[%parallel_loop3A_185, %parallel_loop3A_91] : memref<8x4096xf32, #tpu.memory_space<vmem>>[vector<16xi32>, vector<16xi32>], vector<16xf32>,
        %parallel_loop3A_187 = tpu.vector_load_idx %arg6[%parallel_loop3A_185, %parallel_loop3A_95] : memref<8x4096xf32, #tpu.memory_space<vmem>>[vector<16xi32>, vector<16xi32>], vector<16xf32>,
        %parallel_loop3A_188 = arith.addf %parallel_loop3A_186, %parallel_loop3A_187 : vector<16xf32>
        %parallel_loop3A_189 = tpu.vector_load_idx %arg6[%parallel_loop3A_185, %parallel_loop3A_99] : memref<8x4096xf32, #tpu.memory_space<vmem>>[vector<16xi32>, vector<16xi32>], vector<16xf32>,
        %parallel_loop3A_190 = arith.addf %parallel_loop3A_188, %parallel_loop3A_189 : vector<16xf32>
        %parallel_loop3A_191 = tpu.vector_load_idx %arg6[%parallel_loop3A_185, %parallel_loop3A_103] : memref<8x4096xf32, #tpu.memory_space<vmem>>[vector<16xi32>, vector<16xi32>], vector<16xf32>,
        %parallel_loop3A_192 = arith.addf %parallel_loop3A_190, %parallel_loop3A_191 : vector<16xf32>
        %parallel_loop3A_193 = arith.constant 2.500000e-01 : f32
        %parallel_loop3A_194 = vector.broadcast %parallel_loop3A_193 : f32 to vector<16xf32>
        %parallel_loop3A_195 = arith.mulf %parallel_loop3A_192, %parallel_loop3A_194 : vector<16xf32>
        %parallel_loop3A_196 = arith.constant 5 : i32
        %parallel_loop3A_197 = arith.index_cast %parallel_loop3A_196 : i32 to index
        %parallel_loop3A_198 = arith.index_cast %parallel_loop3A_87 : i32 to index
        %parallel_loop3A_199 = tpu.vector_load %arg8[%parallel_loop3A_197, %parallel_loop3A_198] {strides = array<i32>} : memref<8x2048xf32, #tpu.memory_space<vmem>>, vector<16xf32>,
        tpu.vector_store %arg8[%parallel_loop3A_197, %parallel_loop3A_198], %parallel_loop3A_195 {strides = array<i32>} : memref<8x2048xf32, #tpu.memory_space<vmem>>, vector<16xf32>,
        %parallel_loop3A_200 = arith.constant 6 : i32
        %parallel_loop3A_201 = vector.broadcast %parallel_loop3A_200 : i32 to vector<16xi32>
        %parallel_loop3A_202 = tpu.vector_load_idx %arg6[%parallel_loop3A_201, %parallel_loop3A_91] : memref<8x4096xf32, #tpu.memory_space<vmem>>[vector<16xi32>, vector<16xi32>], vector<16xf32>,
        %parallel_loop3A_203 = tpu.vector_load_idx %arg6[%parallel_loop3A_201, %parallel_loop3A_95] : memref<8x4096xf32, #tpu.memory_space<vmem>>[vector<16xi32>, vector<16xi32>], vector<16xf32>,
        %parallel_loop3A_204 = arith.addf %parallel_loop3A_202, %parallel_loop3A_203 : vector<16xf32>
        %parallel_loop3A_205 = tpu.vector_load_idx %arg6[%parallel_loop3A_201, %parallel_loop3A_99] : memref<8x4096xf32, #tpu.memory_space<vmem>>[vector<16xi32>, vector<16xi32>], vector<16xf32>,
        %parallel_loop3A_206 = arith.addf %parallel_loop3A_204, %parallel_loop3A_205 : vector<16xf32>
        %parallel_loop3A_207 = tpu.vector_load_idx %arg6[%parallel_loop3A_201, %parallel_loop3A_103] : memref<8x4096xf32, #tpu.memory_space<vmem>>[vector<16xi32>, vector<16xi32>], vector<16xf32>,
        %parallel_loop3A_208 = arith.addf %parallel_loop3A_206, %parallel_loop3A_207 : vector<16xf32>
        %parallel_loop3A_209 = arith.constant 2.500000e-01 : f32
        %parallel_loop3A_210 = vector.broadcast %parallel_loop3A_209 : f32 to vector<16xf32>
        %parallel_loop3A_211 = arith.mulf %parallel_loop3A_208, %parallel_loop3A_210 : vector<16xf32>
        %parallel_loop3A_212 = arith.constant 6 : i32
        %parallel_loop3A_213 = arith.index_cast %parallel_loop3A_212 : i32 to index
        %parallel_loop3A_214 = arith.index_cast %parallel_loop3A_87 : i32 to index
        %parallel_loop3A_215 = tpu.vector_load %arg8[%parallel_loop3A_213, %parallel_loop3A_214] {strides = array<i32>} : memref<8x2048xf32, #tpu.memory_space<vmem>>, vector<16xf32>,
        tpu.vector_store %arg8[%parallel_loop3A_213, %parallel_loop3A_214], %parallel_loop3A_211 {strides = array<i32>} : memref<8x2048xf32, #tpu.memory_space<vmem>>, vector<16xf32>,
        %parallel_loop3A_216 = arith.constant 7 : i32
        %parallel_loop3A_217 = vector.broadcast %parallel_loop3A_216 : i32 to vector<16xi32>
        %parallel_loop3A_218 = tpu.vector_load_idx %arg6[%parallel_loop3A_217, %parallel_loop3A_91] : memref<8x4096xf32, #tpu.memory_space<vmem>>[vector<16xi32>, vector<16xi32>], vector<16xf32>,
        %parallel_loop3A_219 = tpu.vector_load_idx %arg6[%parallel_loop3A_217, %parallel_loop3A_95] : memref<8x4096xf32, #tpu.memory_space<vmem>>[vector<16xi32>, vector<16xi32>], vector<16xf32>,
        %parallel_loop3A_220 = arith.addf %parallel_loop3A_218, %parallel_loop3A_219 : vector<16xf32>
        %parallel_loop3A_221 = tpu.vector_load_idx %arg6[%parallel_loop3A_217, %parallel_loop3A_99] : memref<8x4096xf32, #tpu.memory_space<vmem>>[vector<16xi32>, vector<16xi32>], vector<16xf32>,
        %parallel_loop3A_222 = arith.addf %parallel_loop3A_220, %parallel_loop3A_221 : vector<16xf32>
        %parallel_loop3A_223 = tpu.vector_load_idx %arg6[%parallel_loop3A_217, %parallel_loop3A_103] : memref<8x4096xf32, #tpu.memory_space<vmem>>[vector<16xi32>, vector<16xi32>], vector<16xf32>,
        %parallel_loop3A_224 = arith.addf %parallel_loop3A_222, %parallel_loop3A_223 : vector<16xf32>
        %parallel_loop3A_225 = arith.constant 2.500000e-01 : f32
        %parallel_loop3A_226 = vector.broadcast %parallel_loop3A_225 : f32 to vector<16xf32>
        %parallel_loop3A_227 = arith.mulf %parallel_loop3A_224, %parallel_loop3A_226 : vector<16xf32>
        %parallel_loop3A_228 = arith.constant 7 : i32
        %parallel_loop3A_229 = arith.index_cast %parallel_loop3A_228 : i32 to index
        %parallel_loop3A_230 = arith.index_cast %parallel_loop3A_87 : i32 to index
        %parallel_loop3A_231 = tpu.vector_load %arg8[%parallel_loop3A_229, %parallel_loop3A_230] {strides = array<i32>} : memref<8x2048xf32, #tpu.memory_space<vmem>>, vector<16xf32>,
        tpu.vector_store %arg8[%parallel_loop3A_229, %parallel_loop3A_230], %parallel_loop3A_227 {strides = array<i32>} : memref<8x2048xf32, #tpu.memory_space<vmem>>, vector<16xf32>,
      } {sc.loop_unroll_factor = 1 : i64, sc.parallel_access}
      %mul3A_49 = arith.constant 8 : i32
      %mul3A_50 = arith.muli %mul3A_28, %mul3A_49 : i32
      %add3A_51 = arith.addi %mul3A_2, %mul3A_50 : i32
      %dma_start3A_52 = arith.constant 0 : i32
      %dma_start3A_53 = tpu.memref_slice %arg4[%add3A_51, %dma_start3A_52] : memref<8192x2048xf32, #tpu.memory_space<hbm>> -> memref<8x2048xf32, #tpu.memory_space<hbm>>
      %dma_start3A_54 = arith.constant 0 : i32
      %dma_start3A_55 = tpu.memref_slice %arg4[%add3A_51, %dma_start3A_54] : memref<8192x2048xf32, #tpu.memory_space<hbm>> -> memref<8x2048xf32, #tpu.memory_space<hbm>>
      tpu.enqueue_dma source(%arg8 : memref<8x2048xf32, #tpu.memory_space<vmem>>) target(%dma_start3A_55 : memref<8x2048xf32, #tpu.memory_space<hbm>>) target_semaphore(%arg12 : memref<!tpu.dma_semaphore, #tpu.memory_space<semaphore_mem>>)
      %add3A_56 = arith.constant 2 : i32
      %add3A_57 = arith.addi %mul3A_28, %add3A_56 : i32
      %lt3A = arith.constant 20 : i32
      %lt3A_58 = arith.cmpi slt, %add3A_57, %lt3A : i32
      %convert_element_type3A_59 = arith.extui %lt3A_58 : i1 to i32
      %cond3A_60 = arith.constant 0 : i32
      %cond3A_61 = arith.cmpi ne, %convert_element_type3A_59, %cond3A_60 : i32
      scf.if %cond3A_61 {
        %add3A_85 = arith.constant 2 : i32
        %add3A_86 = arith.addi %mul3A_28, %add3A_85 : i32
        %mul3A_87 = arith.constant 8 : i32
        %mul3A_88 = arith.muli %add3A_86, %mul3A_87 : i32
        %add3A_89 = arith.addi %mul3A_2, %mul3A_88 : i32
        %dma_start3A_90 = arith.constant 0 : i32
        %dma_start3A_91 = tpu.memref_slice %arg2[%add3A_89, %dma_start3A_90] : memref<8192x4096xf32, #tpu.memory_space<hbm>> -> memref<8x4096xf32, #tpu.memory_space<hbm>>
        %dma_start3A_92 = arith.constant 0 : i32
        %dma_start3A_93 = tpu.memref_slice %arg2[%add3A_89, %dma_start3A_92] : memref<8192x4096xf32, #tpu.memory_space<hbm>> -> memref<8x4096xf32, #tpu.memory_space<hbm>>
        tpu.enqueue_dma source(%dma_start3A_93 : memref<8x4096xf32, #tpu.memory_space<hbm>>) target(%arg6 : memref<8x4096xf32, #tpu.memory_space<vmem>>) target_semaphore(%arg10 : memref<!tpu.dma_semaphore, #tpu.memory_space<semaphore_mem>>)
      } else {
      }
      %mul3A_62 = arith.constant 8 : i32
      %mul3A_63 = arith.muli %add3A_30, %mul3A_62 : i32
      %add3A_64 = arith.addi %mul3A_2, %mul3A_63 : i32
      %dma_wait3A_65 = arith.constant 0 : i32
      %dma_wait3A_66 = tpu.memref_slice %arg2[%add3A_64, %dma_wait3A_65] : memref<8192x4096xf32, #tpu.memory_space<hbm>> -> memref<8x4096xf32, #tpu.memory_space<hbm>>
      %dma_wait3A_67 = arith.constant 0 : i32
      %dma_wait3A_68 = tpu.memref_slice %arg2[%add3A_64, %dma_wait3A_67] : memref<8192x4096xf32, #tpu.memory_space<hbm>> -> memref<8x4096xf32, #tpu.memory_space<hbm>>
      tpu.wait_dma2 semaphore(%arg11 : memref<!tpu.dma_semaphore, #tpu.memory_space<semaphore_mem>>) src(%dma_wait3A_68 : memref<8x4096xf32, #tpu.memory_space<hbm>>) dst(%arg7 : memref<8x4096xf32, #tpu.memory_space<vmem>>)
      %gt3A_69 = arith.constant 0 : i32
      %gt3A_70 = arith.cmpi sgt, %scan3A_25, %gt3A_69 : i32
      %convert_element_type3A_71 = arith.extui %gt3A_70 : i1 to i32
      %cond3A_72 = arith.constant 0 : i32
      %cond3A_73 = arith.cmpi ne, %convert_element_type3A_71, %cond3A_72 : i32
      scf.if %cond3A_73 {
        %mul3A_85 = arith.constant 8 : i32
        %mul3A_86 = arith.muli %add3A_30, %mul3A_85 : i32
        %add3A_87 = arith.addi %mul3A_2, %mul3A_86 : i32
        %dma_wait3A_88 = arith.constant 0 : i32
        %dma_wait3A_89 = tpu.memref_slice %arg4[%add3A_87, %dma_wait3A_88] : memref<8192x2048xf32, #tpu.memory_space<hbm>> -> memref<8x2048xf32, #tpu.memory_space<hbm>>
        %dma_wait3A_90 = arith.constant 0 : i32
        %dma_wait3A_91 = tpu.memref_slice %arg4[%add3A_87, %dma_wait3A_90] : memref<8192x2048xf32, #tpu.memory_space<hbm>> -> memref<8x2048xf32, #tpu.memory_space<hbm>>
        tpu.wait_dma2 semaphore(%arg13 : memref<!tpu.dma_semaphore, #tpu.memory_space<semaphore_mem>>) src(%arg9 : memref<8x2048xf32, #tpu.memory_space<vmem>>) dst(%dma_wait3A_91 : memref<8x2048xf32, #tpu.memory_space<hbm>>)
      } else {
      }
      %parallel_loop3A_74 = arith.constant 0 : i32
      %parallel_loop3A_75 = arith.constant 128 : i32
      %parallel_loop3A_76 = arith.constant 1 : i32
      scf.for %parallel_loop3A_85 = %parallel_loop3A_74 to %parallel_loop3A_75 step %parallel_loop3A_76  : i32 {
        %parallel_loop3A_86 = arith.constant 16 : i32
        %parallel_loop3A_87 = arith.muli %parallel_loop3A_85, %parallel_loop3A_86 : i32
        %parallel_loop3A_88 = arith.constant 0 : i32
        %parallel_loop3A_89 = arith.index_cast %parallel_loop3A_88 : i32 to index
        %parallel_loop3A_90 = arith.index_cast %parallel_loop3A_87 : i32 to index
        %parallel_loop3A_91 = tpu.vector_load %arg5[%parallel_loop3A_89, %parallel_loop3A_90] {strides = array<i32>} : memref<4x2048xi32, #tpu.memory_space<vmem>>, vector<16xi32>,
        %parallel_loop3A_92 = arith.constant 1 : i32
        %parallel_loop3A_93 = arith.index_cast %parallel_loop3A_92 : i32 to index
        %parallel_loop3A_94 = arith.index_cast %parallel_loop3A_87 : i32 to index
        %parallel_loop3A_95 = tpu.vector_load %arg5[%parallel_loop3A_93, %parallel_loop3A_94] {strides = array<i32>} : memref<4x2048xi32, #tpu.memory_space<vmem>>, vector<16xi32>,
        %parallel_loop3A_96 = arith.constant 2 : i32
        %parallel_loop3A_97 = arith.index_cast %parallel_loop3A_96 : i32 to index
        %parallel_loop3A_98 = arith.index_cast %parallel_loop3A_87 : i32 to index
        %parallel_loop3A_99 = tpu.vector_load %arg5[%parallel_loop3A_97, %parallel_loop3A_98] {strides = array<i32>} : memref<4x2048xi32, #tpu.memory_space<vmem>>, vector<16xi32>,
        %parallel_loop3A_100 = arith.constant 3 : i32
        %parallel_loop3A_101 = arith.index_cast %parallel_loop3A_100 : i32 to index
        %parallel_loop3A_102 = arith.index_cast %parallel_loop3A_87 : i32 to index
        %parallel_loop3A_103 = tpu.vector_load %arg5[%parallel_loop3A_101, %parallel_loop3A_102] {strides = array<i32>} : memref<4x2048xi32, #tpu.memory_space<vmem>>, vector<16xi32>,
        %parallel_loop3A_104 = arith.constant 0 : i32
        %parallel_loop3A_105 = vector.broadcast %parallel_loop3A_104 : i32 to vector<16xi32>
        %parallel_loop3A_106 = tpu.vector_load_idx %arg7[%parallel_loop3A_105, %parallel_loop3A_91] : memref<8x4096xf32, #tpu.memory_space<vmem>>[vector<16xi32>, vector<16xi32>], vector<16xf32>,
        %parallel_loop3A_107 = tpu.vector_load_idx %arg7[%parallel_loop3A_105, %parallel_loop3A_95] : memref<8x4096xf32, #tpu.memory_space<vmem>>[vector<16xi32>, vector<16xi32>], vector<16xf32>,
        %parallel_loop3A_108 = arith.addf %parallel_loop3A_106, %parallel_loop3A_107 : vector<16xf32>
        %parallel_loop3A_109 = tpu.vector_load_idx %arg7[%parallel_loop3A_105, %parallel_loop3A_99] : memref<8x4096xf32, #tpu.memory_space<vmem>>[vector<16xi32>, vector<16xi32>], vector<16xf32>,
        %parallel_loop3A_110 = arith.addf %parallel_loop3A_108, %parallel_loop3A_109 : vector<16xf32>
        %parallel_loop3A_111 = tpu.vector_load_idx %arg7[%parallel_loop3A_105, %parallel_loop3A_103] : memref<8x4096xf32, #tpu.memory_space<vmem>>[vector<16xi32>, vector<16xi32>], vector<16xf32>,
        %parallel_loop3A_112 = arith.addf %parallel_loop3A_110, %parallel_loop3A_111 : vector<16xf32>
        %parallel_loop3A_113 = arith.constant 2.500000e-01 : f32
        %parallel_loop3A_114 = vector.broadcast %parallel_loop3A_113 : f32 to vector<16xf32>
        %parallel_loop3A_115 = arith.mulf %parallel_loop3A_112, %parallel_loop3A_114 : vector<16xf32>
        %parallel_loop3A_116 = arith.constant 0 : i32
        %parallel_loop3A_117 = arith.index_cast %parallel_loop3A_116 : i32 to index
        %parallel_loop3A_118 = arith.index_cast %parallel_loop3A_87 : i32 to index
        %parallel_loop3A_119 = tpu.vector_load %arg9[%parallel_loop3A_117, %parallel_loop3A_118] {strides = array<i32>} : memref<8x2048xf32, #tpu.memory_space<vmem>>, vector<16xf32>,
        tpu.vector_store %arg9[%parallel_loop3A_117, %parallel_loop3A_118], %parallel_loop3A_115 {strides = array<i32>} : memref<8x2048xf32, #tpu.memory_space<vmem>>, vector<16xf32>,
        %parallel_loop3A_120 = arith.constant 1 : i32
        %parallel_loop3A_121 = vector.broadcast %parallel_loop3A_120 : i32 to vector<16xi32>
        %parallel_loop3A_122 = tpu.vector_load_idx %arg7[%parallel_loop3A_121, %parallel_loop3A_91] : memref<8x4096xf32, #tpu.memory_space<vmem>>[vector<16xi32>, vector<16xi32>], vector<16xf32>,
        %parallel_loop3A_123 = tpu.vector_load_idx %arg7[%parallel_loop3A_121, %parallel_loop3A_95] : memref<8x4096xf32, #tpu.memory_space<vmem>>[vector<16xi32>, vector<16xi32>], vector<16xf32>,
        %parallel_loop3A_124 = arith.addf %parallel_loop3A_122, %parallel_loop3A_123 : vector<16xf32>
        %parallel_loop3A_125 = tpu.vector_load_idx %arg7[%parallel_loop3A_121, %parallel_loop3A_99] : memref<8x4096xf32, #tpu.memory_space<vmem>>[vector<16xi32>, vector<16xi32>], vector<16xf32>,
        %parallel_loop3A_126 = arith.addf %parallel_loop3A_124, %parallel_loop3A_125 : vector<16xf32>
        %parallel_loop3A_127 = tpu.vector_load_idx %arg7[%parallel_loop3A_121, %parallel_loop3A_103] : memref<8x4096xf32, #tpu.memory_space<vmem>>[vector<16xi32>, vector<16xi32>], vector<16xf32>,
        %parallel_loop3A_128 = arith.addf %parallel_loop3A_126, %parallel_loop3A_127 : vector<16xf32>
        %parallel_loop3A_129 = arith.constant 2.500000e-01 : f32
        %parallel_loop3A_130 = vector.broadcast %parallel_loop3A_129 : f32 to vector<16xf32>
        %parallel_loop3A_131 = arith.mulf %parallel_loop3A_128, %parallel_loop3A_130 : vector<16xf32>
        %parallel_loop3A_132 = arith.constant 1 : i32
        %parallel_loop3A_133 = arith.index_cast %parallel_loop3A_132 : i32 to index
        %parallel_loop3A_134 = arith.index_cast %parallel_loop3A_87 : i32 to index
        %parallel_loop3A_135 = tpu.vector_load %arg9[%parallel_loop3A_133, %parallel_loop3A_134] {strides = array<i32>} : memref<8x2048xf32, #tpu.memory_space<vmem>>, vector<16xf32>,
        tpu.vector_store %arg9[%parallel_loop3A_133, %parallel_loop3A_134], %parallel_loop3A_131 {strides = array<i32>} : memref<8x2048xf32, #tpu.memory_space<vmem>>, vector<16xf32>,
        %parallel_loop3A_136 = arith.constant 2 : i32
        %parallel_loop3A_137 = vector.broadcast %parallel_loop3A_136 : i32 to vector<16xi32>
        %parallel_loop3A_138 = tpu.vector_load_idx %arg7[%parallel_loop3A_137, %parallel_loop3A_91] : memref<8x4096xf32, #tpu.memory_space<vmem>>[vector<16xi32>, vector<16xi32>], vector<16xf32>,
        %parallel_loop3A_139 = tpu.vector_load_idx %arg7[%parallel_loop3A_137, %parallel_loop3A_95] : memref<8x4096xf32, #tpu.memory_space<vmem>>[vector<16xi32>, vector<16xi32>], vector<16xf32>,
        %parallel_loop3A_140 = arith.addf %parallel_loop3A_138, %parallel_loop3A_139 : vector<16xf32>
        %parallel_loop3A_141 = tpu.vector_load_idx %arg7[%parallel_loop3A_137, %parallel_loop3A_99] : memref<8x4096xf32, #tpu.memory_space<vmem>>[vector<16xi32>, vector<16xi32>], vector<16xf32>,
        %parallel_loop3A_142 = arith.addf %parallel_loop3A_140, %parallel_loop3A_141 : vector<16xf32>
        %parallel_loop3A_143 = tpu.vector_load_idx %arg7[%parallel_loop3A_137, %parallel_loop3A_103] : memref<8x4096xf32, #tpu.memory_space<vmem>>[vector<16xi32>, vector<16xi32>], vector<16xf32>,
        %parallel_loop3A_144 = arith.addf %parallel_loop3A_142, %parallel_loop3A_143 : vector<16xf32>
        %parallel_loop3A_145 = arith.constant 2.500000e-01 : f32
        %parallel_loop3A_146 = vector.broadcast %parallel_loop3A_145 : f32 to vector<16xf32>
        %parallel_loop3A_147 = arith.mulf %parallel_loop3A_144, %parallel_loop3A_146 : vector<16xf32>
        %parallel_loop3A_148 = arith.constant 2 : i32
        %parallel_loop3A_149 = arith.index_cast %parallel_loop3A_148 : i32 to index
        %parallel_loop3A_150 = arith.index_cast %parallel_loop3A_87 : i32 to index
        %parallel_loop3A_151 = tpu.vector_load %arg9[%parallel_loop3A_149, %parallel_loop3A_150] {strides = array<i32>} : memref<8x2048xf32, #tpu.memory_space<vmem>>, vector<16xf32>,
        tpu.vector_store %arg9[%parallel_loop3A_149, %parallel_loop3A_150], %parallel_loop3A_147 {strides = array<i32>} : memref<8x2048xf32, #tpu.memory_space<vmem>>, vector<16xf32>,
        %parallel_loop3A_152 = arith.constant 3 : i32
        %parallel_loop3A_153 = vector.broadcast %parallel_loop3A_152 : i32 to vector<16xi32>
        %parallel_loop3A_154 = tpu.vector_load_idx %arg7[%parallel_loop3A_153, %parallel_loop3A_91] : memref<8x4096xf32, #tpu.memory_space<vmem>>[vector<16xi32>, vector<16xi32>], vector<16xf32>,
        %parallel_loop3A_155 = tpu.vector_load_idx %arg7[%parallel_loop3A_153, %parallel_loop3A_95] : memref<8x4096xf32, #tpu.memory_space<vmem>>[vector<16xi32>, vector<16xi32>], vector<16xf32>,
        %parallel_loop3A_156 = arith.addf %parallel_loop3A_154, %parallel_loop3A_155 : vector<16xf32>
        %parallel_loop3A_157 = tpu.vector_load_idx %arg7[%parallel_loop3A_153, %parallel_loop3A_99] : memref<8x4096xf32, #tpu.memory_space<vmem>>[vector<16xi32>, vector<16xi32>], vector<16xf32>,
        %parallel_loop3A_158 = arith.addf %parallel_loop3A_156, %parallel_loop3A_157 : vector<16xf32>
        %parallel_loop3A_159 = tpu.vector_load_idx %arg7[%parallel_loop3A_153, %parallel_loop3A_103] : memref<8x4096xf32, #tpu.memory_space<vmem>>[vector<16xi32>, vector<16xi32>], vector<16xf32>,
        %parallel_loop3A_160 = arith.addf %parallel_loop3A_158, %parallel_loop3A_159 : vector<16xf32>
        %parallel_loop3A_161 = arith.constant 2.500000e-01 : f32
        %parallel_loop3A_162 = vector.broadcast %parallel_loop3A_161 : f32 to vector<16xf32>
        %parallel_loop3A_163 = arith.mulf %parallel_loop3A_160, %parallel_loop3A_162 : vector<16xf32>
        %parallel_loop3A_164 = arith.constant 3 : i32
        %parallel_loop3A_165 = arith.index_cast %parallel_loop3A_164 : i32 to index
        %parallel_loop3A_166 = arith.index_cast %parallel_loop3A_87 : i32 to index
        %parallel_loop3A_167 = tpu.vector_load %arg9[%parallel_loop3A_165, %parallel_loop3A_166] {strides = array<i32>} : memref<8x2048xf32, #tpu.memory_space<vmem>>, vector<16xf32>,
        tpu.vector_store %arg9[%parallel_loop3A_165, %parallel_loop3A_166], %parallel_loop3A_163 {strides = array<i32>} : memref<8x2048xf32, #tpu.memory_space<vmem>>, vector<16xf32>,
        %parallel_loop3A_168 = arith.constant 4 : i32
        %parallel_loop3A_169 = vector.broadcast %parallel_loop3A_168 : i32 to vector<16xi32>
        %parallel_loop3A_170 = tpu.vector_load_idx %arg7[%parallel_loop3A_169, %parallel_loop3A_91] : memref<8x4096xf32, #tpu.memory_space<vmem>>[vector<16xi32>, vector<16xi32>], vector<16xf32>,
        %parallel_loop3A_171 = tpu.vector_load_idx %arg7[%parallel_loop3A_169, %parallel_loop3A_95] : memref<8x4096xf32, #tpu.memory_space<vmem>>[vector<16xi32>, vector<16xi32>], vector<16xf32>,
        %parallel_loop3A_172 = arith.addf %parallel_loop3A_170, %parallel_loop3A_171 : vector<16xf32>
        %parallel_loop3A_173 = tpu.vector_load_idx %arg7[%parallel_loop3A_169, %parallel_loop3A_99] : memref<8x4096xf32, #tpu.memory_space<vmem>>[vector<16xi32>, vector<16xi32>], vector<16xf32>,
        %parallel_loop3A_174 = arith.addf %parallel_loop3A_172, %parallel_loop3A_173 : vector<16xf32>
        %parallel_loop3A_175 = tpu.vector_load_idx %arg7[%parallel_loop3A_169, %parallel_loop3A_103] : memref<8x4096xf32, #tpu.memory_space<vmem>>[vector<16xi32>, vector<16xi32>], vector<16xf32>,
        %parallel_loop3A_176 = arith.addf %parallel_loop3A_174, %parallel_loop3A_175 : vector<16xf32>
        %parallel_loop3A_177 = arith.constant 2.500000e-01 : f32
        %parallel_loop3A_178 = vector.broadcast %parallel_loop3A_177 : f32 to vector<16xf32>
        %parallel_loop3A_179 = arith.mulf %parallel_loop3A_176, %parallel_loop3A_178 : vector<16xf32>
        %parallel_loop3A_180 = arith.constant 4 : i32
        %parallel_loop3A_181 = arith.index_cast %parallel_loop3A_180 : i32 to index
        %parallel_loop3A_182 = arith.index_cast %parallel_loop3A_87 : i32 to index
        %parallel_loop3A_183 = tpu.vector_load %arg9[%parallel_loop3A_181, %parallel_loop3A_182] {strides = array<i32>} : memref<8x2048xf32, #tpu.memory_space<vmem>>, vector<16xf32>,
        tpu.vector_store %arg9[%parallel_loop3A_181, %parallel_loop3A_182], %parallel_loop3A_179 {strides = array<i32>} : memref<8x2048xf32, #tpu.memory_space<vmem>>, vector<16xf32>,
        %parallel_loop3A_184 = arith.constant 5 : i32
        %parallel_loop3A_185 = vector.broadcast %parallel_loop3A_184 : i32 to vector<16xi32>
        %parallel_loop3A_186 = tpu.vector_load_idx %arg7[%parallel_loop3A_185, %parallel_loop3A_91] : memref<8x4096xf32, #tpu.memory_space<vmem>>[vector<16xi32>, vector<16xi32>], vector<16xf32>,
        %parallel_loop3A_187 = tpu.vector_load_idx %arg7[%parallel_loop3A_185, %parallel_loop3A_95] : memref<8x4096xf32, #tpu.memory_space<vmem>>[vector<16xi32>, vector<16xi32>], vector<16xf32>,
        %parallel_loop3A_188 = arith.addf %parallel_loop3A_186, %parallel_loop3A_187 : vector<16xf32>
        %parallel_loop3A_189 = tpu.vector_load_idx %arg7[%parallel_loop3A_185, %parallel_loop3A_99] : memref<8x4096xf32, #tpu.memory_space<vmem>>[vector<16xi32>, vector<16xi32>], vector<16xf32>,
        %parallel_loop3A_190 = arith.addf %parallel_loop3A_188, %parallel_loop3A_189 : vector<16xf32>
        %parallel_loop3A_191 = tpu.vector_load_idx %arg7[%parallel_loop3A_185, %parallel_loop3A_103] : memref<8x4096xf32, #tpu.memory_space<vmem>>[vector<16xi32>, vector<16xi32>], vector<16xf32>,
        %parallel_loop3A_192 = arith.addf %parallel_loop3A_190, %parallel_loop3A_191 : vector<16xf32>
        %parallel_loop3A_193 = arith.constant 2.500000e-01 : f32
        %parallel_loop3A_194 = vector.broadcast %parallel_loop3A_193 : f32 to vector<16xf32>
        %parallel_loop3A_195 = arith.mulf %parallel_loop3A_192, %parallel_loop3A_194 : vector<16xf32>
        %parallel_loop3A_196 = arith.constant 5 : i32
        %parallel_loop3A_197 = arith.index_cast %parallel_loop3A_196 : i32 to index
        %parallel_loop3A_198 = arith.index_cast %parallel_loop3A_87 : i32 to index
        %parallel_loop3A_199 = tpu.vector_load %arg9[%parallel_loop3A_197, %parallel_loop3A_198] {strides = array<i32>} : memref<8x2048xf32, #tpu.memory_space<vmem>>, vector<16xf32>,
        tpu.vector_store %arg9[%parallel_loop3A_197, %parallel_loop3A_198], %parallel_loop3A_195 {strides = array<i32>} : memref<8x2048xf32, #tpu.memory_space<vmem>>, vector<16xf32>,
        %parallel_loop3A_200 = arith.constant 6 : i32
        %parallel_loop3A_201 = vector.broadcast %parallel_loop3A_200 : i32 to vector<16xi32>
        %parallel_loop3A_202 = tpu.vector_load_idx %arg7[%parallel_loop3A_201, %parallel_loop3A_91] : memref<8x4096xf32, #tpu.memory_space<vmem>>[vector<16xi32>, vector<16xi32>], vector<16xf32>,
        %parallel_loop3A_203 = tpu.vector_load_idx %arg7[%parallel_loop3A_201, %parallel_loop3A_95] : memref<8x4096xf32, #tpu.memory_space<vmem>>[vector<16xi32>, vector<16xi32>], vector<16xf32>,
        %parallel_loop3A_204 = arith.addf %parallel_loop3A_202, %parallel_loop3A_203 : vector<16xf32>
        %parallel_loop3A_205 = tpu.vector_load_idx %arg7[%parallel_loop3A_201, %parallel_loop3A_99] : memref<8x4096xf32, #tpu.memory_space<vmem>>[vector<16xi32>, vector<16xi32>], vector<16xf32>,
        %parallel_loop3A_206 = arith.addf %parallel_loop3A_204, %parallel_loop3A_205 : vector<16xf32>
        %parallel_loop3A_207 = tpu.vector_load_idx %arg7[%parallel_loop3A_201, %parallel_loop3A_103] : memref<8x4096xf32, #tpu.memory_space<vmem>>[vector<16xi32>, vector<16xi32>], vector<16xf32>,
        %parallel_loop3A_208 = arith.addf %parallel_loop3A_206, %parallel_loop3A_207 : vector<16xf32>
        %parallel_loop3A_209 = arith.constant 2.500000e-01 : f32
        %parallel_loop3A_210 = vector.broadcast %parallel_loop3A_209 : f32 to vector<16xf32>
        %parallel_loop3A_211 = arith.mulf %parallel_loop3A_208, %parallel_loop3A_210 : vector<16xf32>
        %parallel_loop3A_212 = arith.constant 6 : i32
        %parallel_loop3A_213 = arith.index_cast %parallel_loop3A_212 : i32 to index
        %parallel_loop3A_214 = arith.index_cast %parallel_loop3A_87 : i32 to index
        %parallel_loop3A_215 = tpu.vector_load %arg9[%parallel_loop3A_213, %parallel_loop3A_214] {strides = array<i32>} : memref<8x2048xf32, #tpu.memory_space<vmem>>, vector<16xf32>,
        tpu.vector_store %arg9[%parallel_loop3A_213, %parallel_loop3A_214], %parallel_loop3A_211 {strides = array<i32>} : memref<8x2048xf32, #tpu.memory_space<vmem>>, vector<16xf32>,
        %parallel_loop3A_216 = arith.constant 7 : i32
        %parallel_loop3A_217 = vector.broadcast %parallel_loop3A_216 : i32 to vector<16xi32>
        %parallel_loop3A_218 = tpu.vector_load_idx %arg7[%parallel_loop3A_217, %parallel_loop3A_91] : memref<8x4096xf32, #tpu.memory_space<vmem>>[vector<16xi32>, vector<16xi32>], vector<16xf32>,
        %parallel_loop3A_219 = tpu.vector_load_idx %arg7[%parallel_loop3A_217, %parallel_loop3A_95] : memref<8x4096xf32, #tpu.memory_space<vmem>>[vector<16xi32>, vector<16xi32>], vector<16xf32>,
        %parallel_loop3A_220 = arith.addf %parallel_loop3A_218, %parallel_loop3A_219 : vector<16xf32>
        %parallel_loop3A_221 = tpu.vector_load_idx %arg7[%parallel_loop3A_217, %parallel_loop3A_99] : memref<8x4096xf32, #tpu.memory_space<vmem>>[vector<16xi32>, vector<16xi32>], vector<16xf32>,
        %parallel_loop3A_222 = arith.addf %parallel_loop3A_220, %parallel_loop3A_221 : vector<16xf32>
        %parallel_loop3A_223 = tpu.vector_load_idx %arg7[%parallel_loop3A_217, %parallel_loop3A_103] : memref<8x4096xf32, #tpu.memory_space<vmem>>[vector<16xi32>, vector<16xi32>], vector<16xf32>,
        %parallel_loop3A_224 = arith.addf %parallel_loop3A_222, %parallel_loop3A_223 : vector<16xf32>
        %parallel_loop3A_225 = arith.constant 2.500000e-01 : f32
        %parallel_loop3A_226 = vector.broadcast %parallel_loop3A_225 : f32 to vector<16xf32>
        %parallel_loop3A_227 = arith.mulf %parallel_loop3A_224, %parallel_loop3A_226 : vector<16xf32>
        %parallel_loop3A_228 = arith.constant 7 : i32
        %parallel_loop3A_229 = arith.index_cast %parallel_loop3A_228 : i32 to index
        %parallel_loop3A_230 = arith.index_cast %parallel_loop3A_87 : i32 to index
        %parallel_loop3A_231 = tpu.vector_load %arg9[%parallel_loop3A_229, %parallel_loop3A_230] {strides = array<i32>} : memref<8x2048xf32, #tpu.memory_space<vmem>>, vector<16xf32>,
        tpu.vector_store %arg9[%parallel_loop3A_229, %parallel_loop3A_230], %parallel_loop3A_227 {strides = array<i32>} : memref<8x2048xf32, #tpu.memory_space<vmem>>, vector<16xf32>,
      } {sc.loop_unroll_factor = 1 : i64, sc.parallel_access}
      %mul3A_77 = arith.constant 8 : i32
      %mul3A_78 = arith.muli %add3A_30, %mul3A_77 : i32
      %add3A_79 = arith.addi %mul3A_2, %mul3A_78 : i32
      %dma_start3A_80 = arith.constant 0 : i32
      %dma_start3A_81 = tpu.memref_slice %arg4[%add3A_79, %dma_start3A_80] : memref<8192x2048xf32, #tpu.memory_space<hbm>> -> memref<8x2048xf32, #tpu.memory_space<hbm>>
      %dma_start3A_82 = arith.constant 0 : i32
      %dma_start3A_83 = tpu.memref_slice %arg4[%add3A_79, %dma_start3A_82] : memref<8192x2048xf32, #tpu.memory_space<hbm>> -> memref<8x2048xf32, #tpu.memory_space<hbm>>
      tpu.enqueue_dma source(%arg9 : memref<8x2048xf32, #tpu.memory_space<vmem>>) target(%dma_start3A_83 : memref<8x2048xf32, #tpu.memory_space<hbm>>) target_semaphore(%arg13 : memref<!tpu.dma_semaphore, #tpu.memory_space<semaphore_mem>>)
      %scan3A_84 = arith.constant 0 : i32
      scf.yield %scan3A_84 : i32
    }
    %scan3A_13 = arith.constant 10 : i32
    %add3A_14 = arith.constant 144 : i32
    %add3A_15 = arith.addi %mul3A_2, %add3A_14 : i32
    %dma_wait3A = arith.constant 0 : i32
    %dma_wait3A_16 = tpu.memref_slice %arg4[%add3A_15, %dma_wait3A] : memref<8192x2048xf32, #tpu.memory_space<hbm>> -> memref<8x2048xf32, #tpu.memory_space<hbm>>
    %dma_wait3A_17 = arith.constant 0 : i32
    %dma_wait3A_18 = tpu.memref_slice %arg4[%add3A_15, %dma_wait3A_17] : memref<8192x2048xf32, #tpu.memory_space<hbm>> -> memref<8x2048xf32, #tpu.memory_space<hbm>>
    tpu.wait_dma2 semaphore(%arg12 : memref<!tpu.dma_semaphore, #tpu.memory_space<semaphore_mem>>) src(%arg8 : memref<8x2048xf32, #tpu.memory_space<vmem>>) dst(%dma_wait3A_18 : memref<8x2048xf32, #tpu.memory_space<hbm>>)
    %add3A_19 = arith.constant 152 : i32
    %add3A_20 = arith.addi %mul3A_2, %add3A_19 : i32
    %dma_wait3A_21 = arith.constant 0 : i32
    %dma_wait3A_22 = tpu.memref_slice %arg4[%add3A_20, %dma_wait3A_21] : memref<8192x2048xf32, #tpu.memory_space<hbm>> -> memref<8x2048xf32, #tpu.memory_space<hbm>>
    %dma_wait3A_23 = arith.constant 0 : i32
    %dma_wait3A_24 = tpu.memref_slice %arg4[%add3A_20, %dma_wait3A_23] : memref<8192x2048xf32, #tpu.memory_space<hbm>> -> memref<8x2048xf32, #tpu.memory_space<hbm>>
    tpu.wait_dma2 semaphore(%arg13 : memref<!tpu.dma_semaphore, #tpu.memory_space<semaphore_mem>>) src(%arg9 : memref<8x2048xf32, #tpu.memory_space<vmem>>) dst(%dma_wait3A_24 : memref<8x2048xf32, #tpu.memory_space<hbm>>)
    return
  }
}

module attributes {stable_mosaic.version = 14 : i64} {
  func.func @_s_build_body(%arg0: i32, %arg1: memref<4x2048xi32, #tpu.memory_space<vmem>>, %arg2: memref<512x2048xbf16, #tpu.memory_space<vmem>>) attributes {dimension_semantics = [#tpu.dimension_semantics<arbitrary>], iteration_bounds = array<i64: 8>, scalar_prefetch = 0 : i64, scratch_operands = 0 : i64, tpu.core_type = #tpu.core_type<tc>, window_params = [{pipeline_mode = #tpu.pipeline_mode<synchronous>, transform_indices = @transform_0, window_bounds = array<i64: 4, 2048>}, {transform_indices = @transform_1, window_bounds = array<i64: 512, 2048>}]} {
    %mul3A = arith.constant 512 : i32
    %mul3A_0 = arith.muli %arg0, %mul3A : i32
    %iota3A = tpu.iota {dimensions = array<i32: 0>} : vector<512x2048xi32>
    %add3A = vector.broadcast %mul3A_0 : i32 to vector<512x2048xi32>
    %add3A_1 = arith.addi %iota3A, %add3A : vector<512x2048xi32>
    %broadcast_in_dim3A = arith.constant 0.000000e+00 : f32
    %broadcast_in_dim3A_2 = vector.broadcast %broadcast_in_dim3A : f32 to vector<512x2048xf32>
    %get3A = arith.constant 0 : index
    %get3A_3 = arith.constant 0 : index
    %get3A_4 = vector.load %arg1[%get3A, %get3A_3] : memref<4x2048xi32, #tpu.memory_space<vmem>>, vector<1x2048xi32>
    %get3A_5 = vector.shape_cast %get3A_4 : vector<1x2048xi32> to vector<2048xi32>
    %broadcast_in_dim3A_6 = vector.shape_cast %get3A_5 : vector<2048xi32> to vector<1x2048xi32>
    %eq3A = vector.broadcast %broadcast_in_dim3A_6 : vector<1x2048xi32> to vector<512x2048xi32>
    %eq3A_7 = arith.cmpi eq, %add3A_1, %eq3A : vector<512x2048xi32>
    %jit3A = arith.constant 2.500000e-01 : f32
    %jit3A_8 = arith.constant 0.000000e+00 : f32
    %broadcast_in_dim3A_9 = vector.broadcast %jit3A : f32 to vector<512x2048xf32>
    %broadcast_in_dim3A_10 = vector.broadcast %jit3A_8 : f32 to vector<512x2048xf32>
    %select_n3A = arith.select %eq3A_7, %broadcast_in_dim3A_9, %broadcast_in_dim3A_10 : vector<512x2048xi1>, vector<512x2048xf32>
    %add3A_11 = arith.addf %broadcast_in_dim3A_2, %select_n3A : vector<512x2048xf32>
    %get3A_12 = arith.constant 1 : index
    %get3A_13 = arith.constant 0 : index
    %get3A_14 = vector.load %arg1[%get3A_12, %get3A_13] : memref<4x2048xi32, #tpu.memory_space<vmem>>, vector<1x2048xi32>
    %get3A_15 = vector.shape_cast %get3A_14 : vector<1x2048xi32> to vector<2048xi32>
    %broadcast_in_dim3A_16 = vector.shape_cast %get3A_15 : vector<2048xi32> to vector<1x2048xi32>
    %eq3A_17 = vector.broadcast %broadcast_in_dim3A_16 : vector<1x2048xi32> to vector<512x2048xi32>
    %eq3A_18 = arith.cmpi eq, %add3A_1, %eq3A_17 : vector<512x2048xi32>
    %jit3A_19 = arith.constant 2.500000e-01 : f32
    %jit3A_20 = arith.constant 0.000000e+00 : f32
    %broadcast_in_dim3A_21 = vector.broadcast %jit3A_19 : f32 to vector<512x2048xf32>
    %broadcast_in_dim3A_22 = vector.broadcast %jit3A_20 : f32 to vector<512x2048xf32>
    %select_n3A_23 = arith.select %eq3A_18, %broadcast_in_dim3A_21, %broadcast_in_dim3A_22 : vector<512x2048xi1>, vector<512x2048xf32>
    %add3A_24 = arith.addf %add3A_11, %select_n3A_23 : vector<512x2048xf32>
    %get3A_25 = arith.constant 2 : index
    %get3A_26 = arith.constant 0 : index
    %get3A_27 = vector.load %arg1[%get3A_25, %get3A_26] : memref<4x2048xi32, #tpu.memory_space<vmem>>, vector<1x2048xi32>
    %get3A_28 = vector.shape_cast %get3A_27 : vector<1x2048xi32> to vector<2048xi32>
    %broadcast_in_dim3A_29 = vector.shape_cast %get3A_28 : vector<2048xi32> to vector<1x2048xi32>
    %eq3A_30 = vector.broadcast %broadcast_in_dim3A_29 : vector<1x2048xi32> to vector<512x2048xi32>
    %eq3A_31 = arith.cmpi eq, %add3A_1, %eq3A_30 : vector<512x2048xi32>
    %jit3A_32 = arith.constant 2.500000e-01 : f32
    %jit3A_33 = arith.constant 0.000000e+00 : f32
    %broadcast_in_dim3A_34 = vector.broadcast %jit3A_32 : f32 to vector<512x2048xf32>
    %broadcast_in_dim3A_35 = vector.broadcast %jit3A_33 : f32 to vector<512x2048xf32>
    %select_n3A_36 = arith.select %eq3A_31, %broadcast_in_dim3A_34, %broadcast_in_dim3A_35 : vector<512x2048xi1>, vector<512x2048xf32>
    %add3A_37 = arith.addf %add3A_24, %select_n3A_36 : vector<512x2048xf32>
    %get3A_38 = arith.constant 3 : index
    %get3A_39 = arith.constant 0 : index
    %get3A_40 = vector.load %arg1[%get3A_38, %get3A_39] : memref<4x2048xi32, #tpu.memory_space<vmem>>, vector<1x2048xi32>
    %get3A_41 = vector.shape_cast %get3A_40 : vector<1x2048xi32> to vector<2048xi32>
    %broadcast_in_dim3A_42 = vector.shape_cast %get3A_41 : vector<2048xi32> to vector<1x2048xi32>
    %eq3A_43 = vector.broadcast %broadcast_in_dim3A_42 : vector<1x2048xi32> to vector<512x2048xi32>
    %eq3A_44 = arith.cmpi eq, %add3A_1, %eq3A_43 : vector<512x2048xi32>
    %jit3A_45 = arith.constant 2.500000e-01 : f32
    %jit3A_46 = arith.constant 0.000000e+00 : f32
    %broadcast_in_dim3A_47 = vector.broadcast %jit3A_45 : f32 to vector<512x2048xf32>
    %broadcast_in_dim3A_48 = vector.broadcast %jit3A_46 : f32 to vector<512x2048xf32>
    %select_n3A_49 = arith.select %eq3A_44, %broadcast_in_dim3A_47, %broadcast_in_dim3A_48 : vector<512x2048xi1>, vector<512x2048xf32>
    %add3A_50 = arith.addf %add3A_37, %select_n3A_49 : vector<512x2048xf32>
    %convert_element_type3A = arith.truncf %add3A_50 : vector<512x2048xf32> to vector<512x2048xbf16>
    %swap3A = arith.constant 0 : index
    %swap3A_51 = arith.constant 0 : index
    %swap3A_52 = vector.load %arg2[%swap3A, %swap3A_51] : memref<512x2048xbf16, #tpu.memory_space<vmem>>, vector<512x2048xbf16>
    tpu.vector_store %arg2[%swap3A, %swap3A_51], %convert_element_type3A {strides = array<i32>} : memref<512x2048xbf16, #tpu.memory_space<vmem>>, vector<512x2048xbf16>,
    return
  }
  func.func @transform_0(%arg0: i32) -> (i32, i32) {
    %c0_i32 = arith.constant 0 : i32
    %c0_i32_0 = arith.constant 0 : i32
    %c0_i32_1 = arith.constant 0 : i32
    return %c0_i32, %c0_i32_0 : i32, i32
  }
  func.func @transform_1(%arg0: i32) -> (i32, i32) {
    %c0_i32 = arith.constant 0 : i32
    %c0_i32_0 = arith.constant 0 : i32
    return %arg0, %c0_i32 : i32, i32
  }
}

module attributes {stable_mosaic.version = 14 : i64} {
  func.func @_mm_body(%arg0: i32, %arg1: memref<256x4096xf32, #tpu.memory_space<vmem>>, %arg2: memref<4096x2048xbf16, #tpu.memory_space<vmem>>, %arg3: memref<256x2048xf32, #tpu.memory_space<vmem>>) attributes {dimension_semantics = [#tpu.dimension_semantics<arbitrary>], iteration_bounds = array<i64: 12>, scalar_prefetch = 0 : i64, scratch_operands = 0 : i64, tpu.core_type = #tpu.core_type<tc>, window_params = [{transform_indices = @transform_0, window_bounds = array<i64: 256, 4096>}, {pipeline_mode = #tpu.pipeline_mode<synchronous>, transform_indices = @transform_1, window_bounds = array<i64: 4096, 2048>}, {transform_indices = @transform_2, window_bounds = array<i64: 256, 2048>}]} {
    %get3A = arith.constant 0 : index
    %get3A_0 = arith.constant 0 : index
    %get3A_1 = vector.load %arg1[%get3A, %get3A_0] : memref<256x4096xf32, #tpu.memory_space<vmem>>, vector<256x4096xf32>
    %convert_element_type3A = arith.truncf %get3A_1 : vector<256x4096xf32> to vector<256x4096xbf16>
    %get3A_2 = arith.constant 0 : index
    %get3A_3 = arith.constant 0 : index
    %get3A_4 = vector.load %arg2[%get3A_2, %get3A_3] : memref<4096x2048xbf16, #tpu.memory_space<vmem>>, vector<4096x2048xbf16>
    %dot_general3A = arith.constant dense<0.000000e+00> : vector<256x2048xf32>
    %dot_general3A_5 = tpu.matmul %convert_element_type3A, %get3A_4, %dot_general3A {dimension_numbers = #tpu.dot_dimension_numbers<[1], [0], [0], [1], [0, 0, 1, 1], [], []>, transpose_lhs_hint = false} : vector<256x4096xbf16>, vector<4096x2048xbf16>, vector<256x2048xf32> -> vector<256x2048xf32>
    %swap3A = arith.constant 0 : index
    %swap3A_6 = arith.constant 0 : index
    %swap3A_7 = vector.load %arg3[%swap3A, %swap3A_6] : memref<256x2048xf32, #tpu.memory_space<vmem>>, vector<256x2048xf32>
    tpu.vector_store %arg3[%swap3A, %swap3A_6], %dot_general3A_5 {strides = array<i32>} : memref<256x2048xf32, #tpu.memory_space<vmem>>, vector<256x2048xf32>,
    return
  }
  func.func @transform_0(%arg0: i32) -> (i32, i32) {
    %add3A = arith.constant 20 : i32
    %add3A_0 = arith.addi %arg0, %add3A : i32
    %c0_i32 = arith.constant 0 : i32
    %c0_i32_1 = arith.constant 0 : i32
    return %add3A_0, %c0_i32 : i32, i32
  }
  func.func @transform_1(%arg0: i32) -> (i32, i32) {
    %c0_i32 = arith.constant 0 : i32
    %c0_i32_0 = arith.constant 0 : i32
    %c0_i32_1 = arith.constant 0 : i32
    return %c0_i32, %c0_i32_0 : i32, i32
  }
  func.func @transform_2(%arg0: i32) -> (i32, i32) {
    %c0_i32 = arith.constant 0 : i32
    %c0_i32_0 = arith.constant 0 : i32
    return %arg0, %c0_i32 : i32, i32
  }
}

</mosaic_0001>

<sc_bundles>
// kernel: kernel.5.cloned.1.call-start
scs
__scs_entry_jumppad:
0x0: {  	(pc) =	sbr.rel $0x88, $3  }
0x1: {  	(tag) =	ssettag $0x0;
	lr =	simm.s32 $0x1  }
0x2: {  	[smem:$0x3F9F] =	sst lr;
	_ =	strace $0xD0000000  }
0x3: {  	_ = 	snop  }
0x4: {  	_ = 	snop  }
0x5: {  	_ = 	snop  }
0x6: {  	_ = 	snop  }
0x7: {  	_ = 	snop  }
__scs_overlays_trampoline_lowered:
0x8: {  	[smem:$0x3FAE] =	sst s0  }
0x9: {  	[smem:$0x3FAF] =	sst s1  }
0xa: {  	[smem:$0x3FB0] =	sst s2  }
0xb: {  	[smem:$0x3FB1] =	sst s3  }
0xc: {  	[smem:$0x3FB2] =	sst s4  }
0xd: {  	[smem:$0x3FB3] =	sst s5  }
0xe: {  	[smem:$0x3FB4] =	sst s6  }
0xf: {  	[smem:$0x3FB5] =	sst s7  }
0x10: {  	[smem:$0x3FB6] =	sst s8  }
0x11: {  	[smem:$0x3FB7] =	sst s9;
	s0 =	simm.s32 @!p0 $0x0  }
0x12: {  	s1 =	sld [smem:$0x3F9D];
	s0 =	simm.s32 @p0 $0x1  }
0x13: {  	[smem:$0x3FB8] =	sst s0;
	s0 =	simm.s32 @!p1 $0x0  }
0x14: {  	s2 =	sld [smem:$0x3F9C];
	s0 =	simm.s32 @p1 $0x1  }
0x15: {  	[smem:$0x3FB9] =	sst s0;
	s0 =	simm.s32 @!p2 $0x0  }
0x16: {  	s3 =	sld [smem:$0x3FDB];
	s0 =	simm.s32 @p2 $0x1  }
0x17: {  	s4 =	simm.s32 $0x1BF5;
	[smem:$0x3FBB] =	sst s0  }
0x18: {  	s0 =	sld [smem:$0x3F9E];
	_ =	swait.ge [sflag:s4], $0x0  }
0x19: {  	s7 =	sld [smem:$0x3F9F]  }
0x1a: {  	s8 =	sadd.s32 $0xFFFFE003, lr  }
0x1b: {  	s9 =	sadd.s32 $0xFFFFFEF7, lr;
	s5 =	simm.s32 $0xFFFFFFFF;
	p2 =	slt.u32 s8, $0xFFFFF086  }
0x1c: {  	p1 =	slt.u32 s9, $0xF7A;
	s5 =	simm.s32 @!p2 $0x0  }
0x1d: {  	s5 =	simm.s32 @p1 $0x1;
	p0 =	seq.s32 s7, s2  }
0x1e: {  	s7 =	smul.u32 @!p0 $0xF7A, s2;
	p2 =	seq.s32 @!p0 s5, $0x0  }
0x1f: {  	s9 =	smul.u32 $0xF7A, s1;
	s8 =	simm.s32 @!p0 $0x1BF5;
	p2 =	por !p2, p0  }
0x20: {  	[sflag:s8] =	ssyncset.s32 @!p0 $0xFFFFF086;
	s6 =	sadd.s32 @!p0 s3, s7;
	s7 =	simm.s32 @!p0 $0x108  }
0x21: {  	s3 =	sadd.s32 s3, s9;
	s6 =	sadd.s32 @!p0 $0x88, s6;
	s7 =	simm.s32 @p2 $0x1082  }
0x22: {  	[simem:s7], [sflag:s8] =	dma.local @!p0 [hbm:s6], $0xF7A  }
0x23: {  	s9 =	sor.u32 $0xD0000000, s2;
	s6 =	simm.s32 $0x108;
	_ =	swait.ge @!p0 [sflag:s8], $0x0  }
0x24: {  	s3 =	sadd.s32 $0x88, s3;
	s6 =	simm.s32 @!p1 $0x1082;
	[sflag:s4] =	ssyncset.s32 $0xFFFFF086  }
0x25: {  	[simem:s6], [sflag:s4] =	dma.local [hbm:s3], $0xF7A  }
0x26: {  	[smem:$0x3F9F] =	sst s1;
	(tag) =	ssettag s2;
	_ =	strace s9  }
0x27: {  	s1 =	sld [smem:$0x3FAF]  }
0x28: {  	s2 =	sld [smem:$0x3FB0]  }
0x29: {  	s4 =	sld [smem:$0x3FB2]  }
0x2a: {  	p0 =	seq.s32 s5, $0x0;
	s5 =	sld [smem:$0x3FB3]  }
0x2b: {  	s6 =	sld [smem:$0x3FB4]  }
0x2c: {  	s7 =	sld [smem:$0x3FB5]  }
0x2d: {  	s3 =	simm.s32 $0x108;
	s8 =	sld [smem:$0x3FB6]  }
0x2e: {  	s3 =	simm.s32 @!p0 $0x1082;
	s9 =	sld [smem:$0x3FB7]  }
0x2f: {  	lr =	sadd.s32 s0, s3;
	s0 =	sld [smem:$0x3FAE]  }
0x30: {  	s3 =	sld [smem:$0x3FB1]  }
0x31: {  	[smem:$0x3FBA] =	sst s10  }
0x32: {  	s10 =	sld [smem:$0x3FB8];
	_ =	sdelay $0x3  }
0x33: {  	p0 =	seq.s32 s10, $0x1;
	s10 =	sld [smem:$0x3FBA];
	_ =	sdelay $0x3  }
0x34: {  	[smem:$0x3FBA] =	sst s10  }
0x35: {  	s10 =	sld [smem:$0x3FB9];
	_ =	sdelay $0x3  }
0x36: {  	p1 =	seq.s32 s10, $0x1;
	s10 =	sld [smem:$0x3FBA];
	_ =	sdelay $0x3  }
0x37: {  	[smem:$0x3FBA] =	sst s10  }
0x38: {  	s10 =	sld [smem:$0x3FBB]  }
0x39: {  	_ = 	snop;
	(pc) =	sbr.ind lr, $3  }
0x3a: {  	_ = 	snop  }
0x3b: {  	_ = 	snop  }
0x3c: {  	p2 =	seq.s32 s10, $0x1;
	s10 =	sld [smem:$0x3FBA]  }
0x3d: {  	_ =	shalt  }
0x3e: {  	_ =	shalt  }
0x3f: {  	_ =	shalt  }
0x40: {  	_ =	shalt  }
0x41: {  	_ =	shalt  }
0x42: {  	_ =	shalt  }
0x43: {  	_ =	shalt  }
0x44: {  	_ =	shalt  }
0x45: {  	_ =	shalt  }
0x46: {  	_ =	shalt  }
0x47: {  	_ =	shalt  }
0x48: {  	_ =	shalt  }
0x49: {  	_ =	shalt  }
0x4a: {  	_ =	shalt  }
0x4b: {  	_ =	shalt  }
0x4c: {  	_ =	shalt  }
0x4d: {  	_ =	shalt  }
0x4e: {  	_ =	shalt  }
0x4f: {  	_ =	shalt  }
0x50: {  	_ =	shalt  }
0x51: {  	_ =	shalt  }
0x52: {  	_ =	shalt  }
0x53: {  	_ =	shalt  }
0x54: {  	_ =	shalt  }
0x55: {  	_ =	shalt  }
0x56: {  	_ =	shalt  }
0x57: {  	_ =	shalt  }
0x58: {  	_ =	shalt  }
0x59: {  	_ =	shalt  }
0x5a: {  	_ =	shalt  }
0x5b: {  	_ =	shalt  }
0x5c: {  	_ =	shalt  }
0x5d: {  	_ =	shalt  }
0x5e: {  	_ =	shalt  }
0x5f: {  	_ =	shalt  }
0x60: {  	_ =	shalt  }
0x61: {  	_ =	shalt  }
0x62: {  	_ =	shalt  }
0x63: {  	_ =	shalt  }
0x64: {  	_ =	shalt  }
0x65: {  	_ =	shalt  }
0x66: {  	_ =	shalt  }
0x67: {  	_ =	shalt  }
0x68: {  	_ =	shalt  }
0x69: {  	_ =	shalt  }
0x6a: {  	_ =	shalt  }
0x6b: {  	_ =	shalt  }
0x6c: {  	_ =	shalt  }
0x6d: {  	_ =	shalt  }
0x6e: {  	_ =	shalt  }
0x6f: {  	_ =	shalt  }
0x70: {  	_ =	shalt  }
0x71: {  	_ =	shalt  }
0x72: {  	_ =	shalt  }
0x73: {  	_ =	shalt  }
0x74: {  	_ =	shalt  }
0x75: {  	_ =	shalt  }
0x76: {  	_ =	shalt  }
0x77: {  	_ =	shalt  }
0x78: {  	_ =	shalt  }
0x79: {  	_ =	shalt  }
0x7a: {  	_ =	shalt  }
0x7b: {  	_ =	shalt  }
0x7c: {  	_ =	shalt  }
0x7d: {  	_ =	shalt  }
0x7e: {  	_ =	shalt  }
0x7f: {  	_ =	shalt  }
0x80: {  	_ =	shalt  }
0x81: {  	_ =	shalt  }
0x82: {  	_ =	shalt  }
0x83: {  	_ =	shalt  }
0x84: {  	_ =	shalt  }
0x85: {  	_ =	shalt  }
0x86: {  	_ =	shalt  }
0x87: {  	_ =	shalt  }
.Lfunc_end0:
.L_simem_size_0:
called_computation_lowered:
.L_overlay_start_0:
0x88: {  	s2 =	sld [smem:$0x3FD9]  }
0x89: {  	s3 =	sld [smem:$0x3FFE];
	_ =	sdelay $0x1  }
0x8a: {  	s1 =	srdreg.scid  }
0x8b: {  	s0 =	sand.u32 $0x1, s1  }
0x8c: {  	s18 =	sshll.u32 s0, $0xA;
	s2 =	sadd.s32 s3, s2  }
0x8d: {  	s2 =	sadd.s32 s2, s18  }
0x8e: {  	[smem:$0x3FC6] =	sst s2  }
0x8f: {  	_ = 	snop  }
0x90: {  	s2 =	sld [smem:$0x3FC9]  }
0x91: {  	s19 =	sld [smem:$0x3FC8]  }
0x92: {  	s4 =	sld [smem:$0x3FD0];
	(tm) =	ssettm $0x1  }
0x93: {  	s5 =	sld [smem:$0x3FFB];
	_ =	sdelay $0x3  }
0x94: {  	_ =	strace s5  }
0x95: {  	s5 =	sld [smem:$0x3FFC];
	_ =	sdelay $0x3  }
0x96: {  	_ =	strace s5  }
0x97: {  	s5 =	sld [smem:$0x3FFD];
	_ =	sdelay $0x3  }
0x98: {  	_ =	strace s5  }
0x99: {  	_ =	strace $0x8FFFFFFF  }
0x9a: {  	s20 =	sld [smem:$0x3FDB];
	_ =	sdelay $0x1  }
0x9b: {  	s6 =	simm.s32 $_scs_section_size  }
0x9c: {  	s7 =	simm.s32 $_size__tile_overlayer_lowered;
	s8 =	simm.s32 $_tile_overlayer_lowered  }
0x9d: {  	s23 =	simm.s32 $0x1BFF;
	s22 =	sshll.u32 s8, $0x1;
	s5 =	sadd.s32 s6, s20  }
0x9e: {  	s9 =	simm.s32 $0x0;
	s21 =	sshll.u32 s7, $0x1;
	s7 =	sadd.s32 s22, s5  }
0x9f: {  	[timem:s9], [sflag:s23] =	dma.local [hbm:s7], s21  }
0xa0: {  	_ =	swait.ge [sflag:s23], s21  }
0xa1: {  	s6 =	ssub.s32 $0x0, s21;
	[sflag:s23] =	ssyncset.done $0x0  }
0xa2: {  	[sflag:s23] =	ssyncadd.s32 s6;
	_ =	sdelay $0x1  }
0xa3: {  	s24 =	simm.s32 $0x1B8B  }
0xa4: {  	_ =	swait.ge [sflag:s24], $0x1  }
0xa5: {  	[sflag:s24] =	ssyncset.done $0x0  }
0xa6: {  	s25 =	simm.s32 $0x1B8E;
	[sflag:s24] =	ssyncadd.s32 $0xFFFFFFFF  }
0xa7: {  	s26 =	simm.s32 $execute0_lowered;
	[smem:$0x3FD2] =	sst s25  }
0xa8: {  	s6 =	sshll.u32 s26, $0x1;
	_ =	strace $0x80000046;
	[dreg:$0x1] =	wrdreg $0xFFFFFFFF  }
0xa9: {  	s28 =	simm.s32 $_size_execute0_lowered;
	s5 =	sadd.s32 s5, s6;
	[dreg:$0x0] =	wrdreg $0x0  }
0xaa: {  	s6 =	sshll.u32 s28, $0x1;
	[dreg:$0x2] =	wrdreg s5  }
0xab: {  	[dreg:$0x3] =	wrdreg s6  }
0xac: {  	[dreg:$0x4] =	wrdreg $0xC0  }
0xad: {  	_ =	task [dreg:s9], $0x5FFFF  }
0xae: {  	[dreg:$0x1] =	wrdreg $0xFFFFFFFF  }
0xaf: {  	[dreg:$0x0] =	wrdreg $0x60  }
0xb0: {  	[dreg:$0x2] =	wrdreg s2  }
0xb1: {  	[dreg:$0x3] =	wrdreg s19  }
0xb2: {  	[dreg:$0x4] =	wrdreg s4  }
0xb3: {  	[dreg:$0x5] =	wrdreg $0x9  }
0xb4: {  	_ =	task.clear_ibuf [dreg:s9], $0x6FFFF;
	_ =	strace $0x90000046  }
0xb5: {  	s29 =	simm.s32 $0x9;
	_ =	strace $0x80000048  }
0xb6: {  	_ =	swait.ge [sflag:s29], $0x1  }
0xb7: {  	[sflag:s29] =	ssyncadd.s32 $0xFFFFFFFF  }
0xb8: {  	_ =	strace $0x90000048  }
0xb9: {  	_ =	sfence  }
0xba: {  	s30 =	sld [smem:$0x0];
	_ =	sdelay $0x2  }
0xbb: {  	s31 =	sshll.u32 s1, $0xD;
	s1 =	sshrl.u32 s1, $0x2  }
0xbc: {  	s3 =	sand.u32 $0x4000, s31;
	s1 =	sadd.s32 s1, s30  }
0xbd: {  	s0 =	sor.u32 s3, s0;
	s1 =	sshll.u32 s1, $0x11  }
0xbe: {  	s0 =	sor.u32 s1, s0  }
0xbf: {  	s0 =	sadd.s32 $0x8F2B, s0  }
0xc0: {  	[sflag:s0] =	ssyncadd.remote.s32 $0x1  }
0xc1: {  	_ =	sfence.sel $0xFFFF  }
0xc2: {  	[dreg:$0x0] =	wrdreg $0xFFFFFFFF;
	(pc) =	sbr.abs _section_cstart, $3  }
0xc3: {  	[dreg:$0x1] =	wrdreg $0xFFFFFFFF  }
0xc4: {  	_ =	task.clear_ibuf [dreg:s9], $0x2FFFF;
	_ =	strace $0x9FFFFFFF  }
0xc5: {  	(tm) =	ssettm $0x7FFFFFFF  }
tec
execute0_lowered:
.L_overlay_start_1:
0x0: {  	(tag) =	ssettag $0x1  }
0x1: {  	s1 =	rddreg [dreg:$0x0];
	s0 =	srdreg.scid  }
0x2: {  	s2 =	stileid.u32;
	s4 =	rddreg [dreg:$0x2];
	s5 =	simm.s32 $0x0  }
0x3: {  	s11 =	simm.s32 $0x5;
	s12 =	simm.s32 $0x2000;
	s13 =	simm.s32 $0xA000  }
0x4: {  	s14 =	simm.s32 $0x1;
	s15 =	simm.s32 $0x12000;
	s16 =	simm.s32 $0x2  }
0x5: {  	s17 =	simm.s32 $0x4;
	s0 =	sand.u32 $0x1, s0;
	s2 =	sshll.u32 s2, $0x1  }
0x6: {  	s18 =	simm.s32 $0x16000;
	s2 =	sor.u32 s0, s2;
	s0 =	ssub.s32 $0x2, s0  }
0x7: {  	s19 =	simm.s32 $0x3;
	s7 =	smul.u32 $0xA0, s2;
	s6 =	sshrl.u32 s0, $0x1  }
0x8: {  	[smem:$0x7FF] =	sst s5;
	s8 =	smul.u32 $0x14000, s2;
	s0 =	ssub.s32 s0, s6  }
0x9: {  	s20 =	simm.s32 $0x0;
	_ =	strace $0x80000047;
	s0 =	smax.u32 s0, $0x1  }
0xa: {  	s3 =	sadd.s32 s1, s8;
	s7 =	sor.u32 $0x8, s7;
	[dreg:$0x5] =	wrdreg s0  }
0xb: {  	s8 =	smul.u32 $0x50000, s2;
	[dreg:$0x4] =	wrdreg s3;
	s10 =	sadd.s32 $0x2000, s3  }
.LBB2_1:
0xc: {  	s0 =	rddreg [dreg:$0x1]  }
0xd: {  	[tilespmem:s5], [sflag:$0x5] =	stream.linear.gather [hbm4b:s0+s5], $0x2000, $0x38;
	[tilespmem:$0x1A000] =	vst v63  }
0xe: {  	_ =	swait.ge [sflag:s11], $0x2000  }
0xf: {  	[sflag:s11] =	ssyncset.done $0x0  }
0x10: {  	s21 =	simm.s32 $0x0;
	s31 =	rddreg [dreg:$0x4];
	[sflag:s11] =	ssyncadd.s32 $0xFFFFE000  }
0x11: {  	[tilespmem:s12], [sflag:$0x1] =	stream.linear.gather [hbm4b:s31+s5], $0x8000, $0x38;
	[tilespmem:$0x1A000] =	vst v63  }
.LBB2_2:
0x12: {  	s0 =	sshll.u32 s21, $0x4  }
0x13: {  	s22 =	sadd.s32 s0, s7  }
0x14: {  	s0 =	sshll.u32 s22, $0x9  }
0x15: {  	s0 =	sadd.s32 s1, s0  }
0x16: {  	[tilespmem:s13], [sflag:$0x2] =	stream.linear.gather [hbm4b:s0+s5], $0x8000, $0x38;
	[tilespmem:$0x1A000] =	vst v63  }
0x17: {  	_ =	swait.ge [sflag:s14], $0x8000  }
0x18: {  	p0 =	seq.s32 s21, $0x0;
	[sflag:s14] =	ssyncset.done $0x0  }
0x19: {  	s0 =	simm.s32 @!p0 $0x3;
	[sflag:s14] =	ssyncadd.s32 $0xFFFF8000  }
0x1a: {  	s2 =	simm.s32 $0x0;
	s23 =	simm.s32 $0x0;
	_ =	swait.ge @!p0 [sflag:s0], $0x4000  }
0x1b: {  	s2 =	sand.u32 $0x70, s2;
	s23 =	sand.u32 $0x3FFFFE00, s23;
	[sflag:s0] =	ssyncset.done @!p0 $0x0  }
0x1c: {  	s26 =	sor.u32 s2, s23;
	[sflag:s0] =	ssyncadd.s32 @!p0 $0xFFFFC000  }
0x1d: {  	v0 =	vld [tilespmem:s26+$0x0]  }
0x1e: {  	v1 =	vld [tilespmem:s26+$0x80];
	_ =	sdelay $0x1  }
0x1f: {  	v2 =	vld [tilespmem:s26+$0x100];
	_ =	sdelay $0x1  }
0x20: {  	v3 =	vld [tilespmem:s26+$0x180];
	v4 =	vshll.u32 v0, $0x3  }
0x21: {  	v0 =	vand.u32 $0x7F, v0;
	v5 =	vshll.u32 v1, $0x3;
	v4 =	vand.u32 $0xFFFFFC00, v4  }
0x22: {  	v8 =	vor.u32 v0, v4;
	v0 =	vand.u32 $0x7F, v1;
	v1 =	vand.u32 $0xFFFFFC00, v5  }
0x23: {  	v4 =	vshll.u32 v2, $0x3;
	v9 =	vor.u32 v0, v1  }
0x24: {  	v0 =	vand.u32 $0x7F, v2;
	v1 =	vand.u32 $0xFFFFFC00, v4  }
0x25: {  	v2 =	vshll.u32 v3, $0x3;
	v10 =	vor.u32 v0, v1  }
0x26: {  	v0 =	vand.u32 $0xFFFFFC00, v2;
	v1 =	vand.u32 $0x7F, v3  }
0x27: {  	v11 =	vor.u32 v1, v0;
	v0 =	vld.idx.msk [tilespmem:v8+s12+$0x0], $0xffff  }
0x28: {  	v1 =	vld.idx.msk [tilespmem:v9+s12+$0x0], $0xffff;
	_ =	sdelay $0x1  }
0x29: {  	v2 =	vld.idx.msk [tilespmem:v10+s12+$0x0], $0xffff;
	_ =	sdelay $0x1  }
0x2a: {  	v3 =	vld.idx.msk [tilespmem:v11+s12+$0x0], $0xffff  }
0x2b: {  	v0 =	vadd.f32 v1, v0;
	_ =	sdelay $0x1  }
0x2c: {  	v0 =	vadd.f32 v2, v0;
	_ =	sdelay $0x1  }
0x2d: {  	s3 =	simm.s32 $0x40;
	s6 =	simm.s32 $0x10;
	v1 =	vor.u32 $0x80, v8;
	v0 =	vadd.f32 v3, v0  }
0x2e: {  	s9 =	simm.s32 $0x0;
	s24 =	sand.u32 $0x70, s6;
	s0 =	sand.u32 $0x3FFFFE00, s3  }
0x2f: {  	s23 =	sand.u32 $0x3FFFFC00, s9;
	s0 =	sor.u32 s24, s0;
	v2 =	vor.u32 $0x80, v9;
	v0 =	vmul.f32 $2.500000000e-01, v0  }
0x30: {  	s2 =	sor.u32 s2, s23;
	v7 =	vld [tilespmem:s0+$0x100]  }
0x31: {  	v5 =	vld [tilespmem:s0+$0x0];
	v4 =	vor.u32 $0x80, v10;
	[tilespmem:s2+$0x12000] =	vst v0  }
0x32: {  	v0 =	vld.idx.msk [tilespmem:v1+s12+$0x0], $0xffff  }
0x33: {  	v6 =	vor.u32 $0x80, v11;
	v1 =	vld [tilespmem:s0+$0x80]  }
0x34: {  	v2 =	vld.idx.msk [tilespmem:v2+s12+$0x0], $0xffff  }
0x35: {  	v3 =	vld [tilespmem:s0+$0x180]  }
0x36: {  	v12 =	vshll.u32 v5, $0x3;
	v4 =	vld.idx.msk [tilespmem:v4+s12+$0x0], $0xffff  }
0x37: {  	v5 =	vand.u32 $0x7F, v5;
	v12 =	vand.u32 $0xFFFFFC00, v12  }
0x38: {  	v12 =	vor.u32 v5, v12;
	v6 =	vld.idx.msk [tilespmem:v6+s12+$0x0], $0xffff;
	v13 =	vshll.u32 v1, $0x3  }
0x39: {  	v0 =	vadd.f32 v2, v0;
	v1 =	vand.u32 $0x7F, v1;
	v2 =	vand.u32 $0xFFFFFC00, v13  }
0x3a: {  	v5 =	vshll.u32 v7, $0x3;
	v14 =	vshll.u32 v3, $0x3;
	v13 =	vor.u32 v1, v2  }
0x3b: {  	v0 =	vadd.f32 v4, v0;
	v1 =	vand.u32 $0x7F, v7;
	v2 =	vand.u32 $0xFFFFFC00, v5  }
0x3c: {  	v4 =	vand.u32 $0xFFFFFC00, v14;
	v14 =	vor.u32 v1, v2  }
0x3d: {  	v1 =	vand.u32 $0x7F, v3;
	v2 =	vor.u32 $0x100, v8;
	v0 =	vadd.f32 v6, v0  }
0x3e: {  	v15 =	vor.u32 v1, v4;
	v1 =	vld.idx.msk [tilespmem:v12+s12+$0x0], $0xffff  }
0x3f: {  	v3 =	vor.u32 $0x100, v9;
	v0 =	vmul.f32 $2.500000000e-01, v0;
	v4 =	vld.idx.msk [tilespmem:v13+s12+$0x0], $0xffff  }
0x40: {  	s23 =	sadd.s32 $0x12000, s2  }
0x41: {  	v5 =	vor.u32 $0x100, v10;
	[tilespmem:s23+$0x80] =	vst v0;
	v0 =	vld.idx.msk [tilespmem:v14+s12+$0x0], $0xffff  }
0x42: {  	v2 =	vld.idx.msk [tilespmem:v2+s12+$0x0], $0xffff  }
0x43: {  	v7 =	vor.u32 $0x100, v11;
	v6 =	vld.idx.msk [tilespmem:v15+s12+$0x0], $0xffff  }
0x44: {  	v3 =	vld.idx.msk [tilespmem:v3+s12+$0x0], $0xffff;
	v1 =	vadd.f32 v4, v1;
	_ =	sdelay $0x1  }
0x45: {  	v0 =	vadd.f32 v0, v1;
	v1 =	vld.idx.msk [tilespmem:v5+s12+$0x0], $0xffff;
	_ =	sdelay $0x1  }
0x46: {  	s25 =	simm.s32 $0x80;
	s26 =	simm.s32 $0x20;
	v4 =	vor.u32 $0x80, v12;
	v5 =	vld.idx.msk [tilespmem:v7+s12+$0x0], $0xffff;
	v0 =	vadd.f32 v6, v0  }
0x47: {  	s2 =	sand.u32 $0x70, s26;
	s0 =	sand.u32 $0x3FFFFE00, s25;
	s25 =	simm.s32 $0x80;
	v2 =	vadd.f32 v3, v2  }
0x48: {  	s0 =	sor.u32 s2, s0;
	s25 =	sand.u32 $0x3FFFFC00, s25;
	v0 =	vmul.f32 $2.500000000e-01, v0  }
0x49: {  	s24 =	sor.u32 s24, s25;
	v19 =	vld [tilespmem:s0+$0x100];
	v6 =	vor.u32 $0x80, v13;
	v1 =	vadd.f32 v1, v2  }
0x4a: {  	v3 =	vor.u32 $0x80, v14;
	v7 =	vld [tilespmem:s0+$0x180];
	[tilespmem:s24+$0x12000] =	vst v0  }
0x4b: {  	v0 =	vld.idx.msk [tilespmem:v4+s12+$0x0], $0xffff;
	v1 =	vadd.f32 v5, v1;
	v4 =	vor.u32 $0x180, v8  }
0x4c: {  	v16 =	vor.u32 $0x180, v9;
	v2 =	vld [tilespmem:s0+$0x0]  }
0x4d: {  	v17 =	vor.u32 $0x80, v15;
	v5 =	vld [tilespmem:s0+$0x80];
	v1 =	vmul.f32 $2.500000000e-01, v1  }
0x4e: {  	v6 =	vld.idx.msk [tilespmem:v6+s12+$0x0], $0xffff  }
0x4f: {  	v18 =	vor.u32 $0x180, v10;
	v3 =	vld.idx.msk [tilespmem:v3+s12+$0x0], $0xffff;
	[tilespmem:s23+$0x100] =	vst v1  }
0x50: {  	v4 =	vld.idx.msk [tilespmem:v4+s12+$0x0], $0xffff  }
0x51: {  	v1 =	vor.u32 $0x180, v11;
	v16 =	vld.idx.msk [tilespmem:v16+s12+$0x0], $0xffff  }
0x52: {  	v22 =	vshll.u32 v19, $0x3;
	v17 =	vld.idx.msk [tilespmem:v17+s12+$0x0], $0xffff;
	v20 =	vshll.u32 v2, $0x3  }
0x53: {  	v2 =	vand.u32 $0x7F, v2;
	v20 =	vand.u32 $0xFFFFFC00, v20;
	v6 =	vadd.f32 v6, v0  }
0x54: {  	v23 =	vshll.u32 v7, $0x3;
	v21 =	vshll.u32 v5, $0x3;
	v18 =	vld.idx.msk [tilespmem:v18+s12+$0x0], $0xffff;
	v0 =	vor.u32 v2, v20  }
0x55: {  	v2 =	vand.u32 $0x7F, v5;
	v5 =	vand.u32 $0xFFFFFC00, v21;
	v3 =	vadd.f32 v3, v6  }
0x56: {  	v6 =	vld.idx.msk [tilespmem:v1+s12+$0x0], $0xffff;
	v1 =	vor.u32 v2, v5;
	v5 =	vand.u32 $0xFFFFFC00, v22;
	v2 =	vadd.f32 v16, v4  }
0x57: {  	v4 =	vand.u32 $0x7F, v19;
	v16 =	vadd.f32 v17, v3;
	v17 =	vor.u32 $0x100, v12  }
0x58: {  	v7 =	vand.u32 $0x7F, v7;
	v19 =	vand.u32 $0xFFFFFC00, v23;
	v3 =	vor.u32 v4, v5  }
0x59: {  	v4 =	vadd.f32 v18, v2;
	v5 =	vmul.f32 $2.500000000e-01, v16;
	v16 =	vor.u32 $0x100, v13  }
0x5a: {  	s24 =	sadd.s32 $0x12000, s24;
	v2 =	vor.u32 v7, v19;
	v7 =	vld.idx.msk [tilespmem:v0+s12+$0x0], $0xffff  }
0x5b: {  	v4 =	vadd.f32 v6, v4;
	v6 =	vor.u32 $0x200, v8;
	v18 =	vld.idx.msk [tilespmem:v1+s12+$0x0], $0xffff;
	[tilespmem:s24+$0x80] =	vst v5  }
0x5c: {  	v5 =	vld.idx.msk [tilespmem:v17+s12+$0x0], $0xffff;
	v17 =	vor.u32 $0x200, v9  }
0x5d: {  	v20 =	vor.u32 $0x100, v14;
	v4 =	vmul.f32 $2.500000000e-01, v4;
	v19 =	vld.idx.msk [tilespmem:v3+s12+$0x0], $0xffff  }
0x5e: {  	v22 =	vor.u32 $0x100, v15;
	v16 =	vld.idx.msk [tilespmem:v16+s12+$0x0], $0xffff  }
0x5f: {  	v21 =	vor.u32 $0x200, v10;
	[tilespmem:s23+$0x180] =	vst v4;
	v4 =	vld.idx.msk [tilespmem:v2+s12+$0x0], $0xffff  }
0x60: {  	v6 =	vld.idx.msk [tilespmem:v6+s12+$0x0], $0xffff;
	v7 =	vadd.f32 v18, v7  }
0x61: {  	v18 =	vor.u32 $0x200, v11;
	v17 =	vld.idx.msk [tilespmem:v17+s12+$0x0], $0xffff  }
0x62: {  	s6 =	simm.s32 $0x30;
	s3 =	simm.s32 $0xC0;
	v7 =	vadd.f32 v19, v7;
	v19 =	vld.idx.msk [tilespmem:v20+s12+$0x0], $0xffff  }
0x63: {  	s26 =	sand.u32 $0x70, s6;
	s0 =	sand.u32 $0x3FFFFE00, s3;
	v22 =	vld.idx.msk [tilespmem:v22+s12+$0x0], $0xffff  }
0x64: {  	s0 =	sor.u32 s26, s0;
	v20 =	vld.idx.msk [tilespmem:v21+s12+$0x0], $0xffff;
	v21 =	vor.u32 $0x80, v0;
	v4 =	vadd.f32 v4, v7  }
0x65: {  	s9 =	simm.s32 $0x100;
	v25 =	vld [tilespmem:s0+$0x100];
	v5 =	vadd.f32 v16, v5  }
0x66: {  	s25 =	sand.u32 $0x3FFFFC00, s9;
	v7 =	vor.u32 $0x80, v3;
	v16 =	vld.idx.msk [tilespmem:v18+s12+$0x0], $0xffff;
	v4 =	vmul.f32 $2.500000000e-01, v4  }
0x67: {  	s2 =	sor.u32 s2, s25;
	v18 =	vld [tilespmem:s0+$0x180];
	v6 =	vadd.f32 v17, v6;
	v17 =	vor.u32 $0x80, v1;
	v5 =	vadd.f32 v19, v5  }
0x68: {  	v23 =	vor.u32 $0x80, v2;
	v19 =	vld [tilespmem:s0+$0x0];
	[tilespmem:s2+$0x12000] =	vst v4  }
0x69: {  	v4 =	vadd.f32 v20, v6;
	v20 =	vor.u32 $0x180, v12;
	v6 =	vld.idx.msk [tilespmem:v21+s12+$0x0], $0xffff;
	v5 =	vadd.f32 v22, v5  }
0x6a: {  	v21 =	vld [tilespmem:s0+$0x80];
	v22 =	vor.u32 $0x180, v13  }
0x6b: {  	v24 =	vor.u32 $0x180, v14;
	v7 =	vld.idx.msk [tilespmem:v7+s12+$0x0], $0xffff;
	v5 =	vmul.f32 $2.500000000e-01, v5  }
0x6c: {  	v4 =	vadd.f32 v16, v4;
	v16 =	vor.u32 $0x280, v9;
	v17 =	vld.idx.msk [tilespmem:v17+s12+$0x0], $0xffff  }
0x6d: {  	v26 =	vor.u32 $0x280, v8;
	v23 =	vld.idx.msk [tilespmem:v23+s12+$0x0], $0xffff;
	[tilespmem:s24+$0x100] =	vst v5  }
0x6e: {  	v4 =	vmul.f32 $2.500000000e-01, v4;
	v5 =	vor.u32 $0x180, v15;
	v20 =	vld.idx.msk [tilespmem:v20+s12+$0x0], $0xffff  }
0x6f: {  	v27 =	vor.u32 $0x280, v10;
	v22 =	vld.idx.msk [tilespmem:v22+s12+$0x0], $0xffff  }
0x70: {  	v29 =	vor.u32 $0x280, v11;
	v30 =	vshll.u32 v18, $0x3;
	[tilespmem:s23+$0x200] =	vst v4;
	v4 =	vshll.u32 v19, $0x3;
	v24 =	vld.idx.msk [tilespmem:v24+s12+$0x0], $0xffff  }
0x71: {  	v19 =	vand.u32 $0x7F, v19;
	v16 =	vld.idx.msk [tilespmem:v16+s12+$0x0], $0xffff;
	v4 =	vand.u32 $0xFFFFFC00, v4;
	v6 =	vadd.f32 v17, v6  }
0x72: {  	v28 =	vshll.u32 v21, $0x3;
	v26 =	vld.idx.msk [tilespmem:v26+s12+$0x0], $0xffff;
	v17 =	vshll.u32 v25, $0x3;
	v4 =	vor.u32 v19, v4  }
0x73: {  	v19 =	vld.idx.msk [tilespmem:v5+s12+$0x0], $0xffff;
	v5 =	vand.u32 $0x7F, v21;
	v21 =	vand.u32 $0xFFFFFC00, v28;
	v6 =	vadd.f32 v7, v6  }
0x74: {  	v17 =	vand.u32 $0xFFFFFC00, v17;
	v5 =	vor.u32 v5, v21;
	v7 =	vadd.f32 v22, v20  }
0x75: {  	v20 =	vand.u32 $0x7F, v25;
	v21 =	vld.idx.msk [tilespmem:v27+s12+$0x0], $0xffff;
	v22 =	vadd.f32 v23, v6;
	v23 =	vor.u32 $0x100, v0  }
0x76: {  	v25 =	vand.u32 $0xFFFFFC00, v30;
	v6 =	vor.u32 v20, v17;
	v7 =	vadd.f32 v24, v7  }
0x77: {  	v17 =	vand.u32 $0x7F, v18;
	v18 =	vld.idx.msk [tilespmem:v29+s12+$0x0], $0xffff;
	v20 =	vmul.f32 $2.500000000e-01, v22;
	v22 =	vor.u32 $0x100, v1  }
0x78: {  	s25 =	sadd.s32 $0x12000, s2;
	v16 =	vadd.f32 v16, v26;
	v26 =	vor.u32 $0x200, v12;
	v24 =	vld.idx.msk [tilespmem:v4+s12+$0x0], $0xffff;
	v19 =	vadd.f32 v19, v7  }
0x79: {  	v7 =	vor.u32 v17, v25;
	v17 =	vld.idx.msk [tilespmem:v5+s12+$0x0], $0xffff;
	[tilespmem:s25+$0x80] =	vst v20  }
0x7a: {  	v16 =	vadd.f32 v21, v16;
	v21 =	vor.u32 $0x200, v13;
	v19 =	vmul.f32 $2.500000000e-01, v19;
	v20 =	vld.idx.msk [tilespmem:v23+s12+$0x0], $0xffff  }
0x7b: {  	v25 =	vor.u32 $0x200, v14;
	v23 =	vld.idx.msk [tilespmem:v6+s12+$0x0], $0xffff  }
0x7c: {  	v28 =	vor.u32 $0x200, v15;
	v16 =	vadd.f32 v18, v16;
	[tilespmem:s24+$0x180] =	vst v19;
	v18 =	vld.idx.msk [tilespmem:v22+s12+$0x0], $0xffff  }
0x7d: {  	v29 =	vor.u32 $0x100, v2;
	v26 =	vld.idx.msk [tilespmem:v26+s12+$0x0], $0xffff  }
0x7e: {  	v19 =	vor.u32 $0x300, v8;
	v16 =	vmul.f32 $2.500000000e-01, v16;
	v27 =	vld.idx.msk [tilespmem:v7+s12+$0x0], $0xffff  }
0x7f: {  	v22 =	vor.u32 $0x100, v3;
	v21 =	vld.idx.msk [tilespmem:v21+s12+$0x0], $0xffff;
	v17 =	vadd.f32 v17, v24  }
0x80: {  	v30 =	vor.u32 $0x300, v11;
	[tilespmem:s23+$0x280] =	vst v16;
	v16 =	vld.idx.msk [tilespmem:v25+s12+$0x0], $0xffff  }
0x81: {  	v17 =	vadd.f32 v23, v17;
	v23 =	vld.idx.msk [tilespmem:v28+s12+$0x0], $0xffff  }
0x82: {  	v24 =	vor.u32 $0x300, v10;
	v28 =	vld.idx.msk [tilespmem:v29+s12+$0x0], $0xffff  }
0x83: {  	s6 =	simm.s32 $0x40;
	s3 =	simm.s32 $0x100;
	v25 =	vor.u32 $0x300, v9;
	v19 =	vld.idx.msk [tilespmem:v19+s12+$0x0], $0xffff  }
0x84: {  	s2 =	sand.u32 $0x70, s6;
	s0 =	sand.u32 $0x3FFFFE00, s3;
	v22 =	vld.idx.msk [tilespmem:v22+s12+$0x0], $0xffff  }
0x85: {  	s0 =	sor.u32 s2, s0;
	v29 =	vor.u32 $0x80, v4;
	v17 =	vadd.f32 v27, v17;
	v27 =	vld.idx.msk [tilespmem:v30+s12+$0x0], $0xffff  }
0x86: {  	s28 =	simm.s32 $0x180;
	v32 =	vor.u32 $0x80, v7;
	v30 =	vld [tilespmem:s0+$0x180]  }
0x87: {  	s28 =	sand.u32 $0x3FFFFC00, s28;
	v18 =	vadd.f32 v18, v20;
	v20 =	vld.idx.msk [tilespmem:v24+s12+$0x0], $0xffff;
	v17 =	vmul.f32 $2.500000000e-01, v17  }
0x88: {  	s26 =	sor.u32 s26, s28;
	v24 =	vor.u32 $0x80, v6;
	v21 =	vadd.f32 v21, v26;
	v25 =	vld.idx.msk [tilespmem:v25+s12+$0x0], $0xffff  }
0x89: {  	v18 =	vadd.f32 v22, v18;
	v22 =	vld [tilespmem:s0+$0x0];
	[tilespmem:s26+$0x12000] =	vst v17  }
0x8a: {  	v26 =	vor.u32 $0x80, v5;
	v16 =	vadd.f32 v16, v21;
	v17 =	vld.idx.msk [tilespmem:v29+s12+$0x0], $0xffff  }
0x8b: {  	v35 =	vor.u32 $0x380, v10;
	v10 =	vld.idx.msk [tilespmem:v32+s12+$0x0], $0xffff  }
0x8c: {  	v16 =	vadd.f32 v23, v16;
	v18 =	vadd.f32 v28, v18;
	v28 =	vld [tilespmem:s0+$0x80]  }
0x8d: {  	s30 =	simm.s32 $0x50;
	s9 =	simm.s32 $0x140;
	v21 =	vor.u32 $0x180, v0;
	v23 =	vld.idx.msk [tilespmem:v24+s12+$0x0], $0xffff  }
0x8e: {  	s29 =	sand.u32 $0x70, s30;
	v29 =	vor.u32 $0x180, v1;
	v16 =	vmul.f32 $2.500000000e-01, v16;
	v19 =	vadd.f32 v25, v19;
	v25 =	vld [tilespmem:s0+$0x100];
	s0 =	sand.u32 $0x3FFFFE00, s9  }
0x8f: {  	v31 =	vor.u32 $0x180, v3;
	v26 =	vld.idx.msk [tilespmem:v26+s12+$0x0], $0xffff;
	v18 =	vmul.f32 $2.500000000e-01, v18;
	s0 =	sor.u32 s29, s0  }
0x90: {  	v24 =	vor.u32 $0x280, v13;
	[tilespmem:s24+$0x200] =	vst v16;
	v52 =	vld [tilespmem:s0+$0x180]  }
0x91: {  	v16 =	vadd.f32 v20, v19;
	v20 =	vor.u32 $0x280, v12;
	v53 =	vld [tilespmem:s0+$0x80];
	[tilespmem:s25+$0x100] =	vst v18  }
0x92: {  	v18 =	vld.idx.msk [tilespmem:v21+s12+$0x0], $0xffff;
	v21 =	vor.u32 $0x180, v2  }
0x93: {  	v19 =	vld.idx.msk [tilespmem:v29+s12+$0x0], $0xffff;
	v29 =	vor.u32 $0x280, v14  }
0x94: {  	v16 =	vadd.f32 v27, v16;
	v27 =	vld.idx.msk [tilespmem:v31+s12+$0x0], $0xffff;
	v31 =	vor.u32 $0x280, v15  }
0x95: {  	v33 =	vor.u32 $0x380, v8;
	v34 =	vor.u32 $0x380, v9;
	v11 =	vor.u32 $0x380, v11;
	v24 =	vld.idx.msk [tilespmem:v24+s12+$0x0], $0xffff  }
0x96: {  	v48 =	vor.u32 $0x100, v7;
	v8 =	vshll.u32 v22, $0x3;
	v17 =	vadd.f32 v26, v17;
	v20 =	vld.idx.msk [tilespmem:v20+s12+$0x0], $0xffff  }
0x97: {  	v9 =	vand.u32 $0x7F, v22;
	v8 =	vand.u32 $0xFFFFFC00, v8;
	v16 =	vmul.f32 $2.500000000e-01, v16;
	v21 =	vld.idx.msk [tilespmem:v21+s12+$0x0], $0xffff  }
0x98: {  	v22 =	vshll.u32 v28, $0x3;
	v9 =	vor.u32 v9, v8;
	v17 =	vadd.f32 v23, v17;
	v29 =	vld.idx.msk [tilespmem:v29+s12+$0x0], $0xffff  }
0x99: {  	v8 =	vand.u32 $0x7F, v28;
	v26 =	vshll.u32 v25, $0x3;
	[tilespmem:s23+$0x300] =	vst v16;
	v16 =	vand.u32 $0xFFFFFC00, v22;
	v22 =	vld.idx.msk [tilespmem:v31+s12+$0x0], $0xffff  }
0x9a: {  	v17 =	vadd.f32 v10, v17;
	v8 =	vor.u32 v8, v16;
	v16 =	vadd.f32 v19, v18;
	v19 =	vld.idx.msk [tilespmem:v33+s12+$0x0], $0xffff  }
0x9b: {  	v46 =	vshll.u32 v30, $0x3;
	v23 =	vand.u32 $0xFFFFFC00, v26;
	v18 =	vand.u32 $0x7F, v25;
	v26 =	vld.idx.msk [tilespmem:v34+s12+$0x0], $0xffff  }
0x9c: {  	v25 =	vor.u32 $0x100, v4;
	v10 =	vor.u32 v18, v23;
	v23 =	vmul.f32 $2.500000000e-01, v17;
	v17 =	vld.idx.msk [tilespmem:v11+s12+$0x0], $0xffff  }
0x9d: {  	s26 =	sadd.s32 $0x12000, s26;
	v28 =	vand.u32 $0xFFFFFC00, v46;
	v18 =	vand.u32 $0x7F, v30;
	v27 =	vadd.f32 v27, v16;
	v16 =	vld.idx.msk [tilespmem:v35+s12+$0x0], $0xffff  }
0x9e: {  	v11 =	vor.u32 v18, v28;
	v20 =	vadd.f32 v24, v20;
	v24 =	vld.idx.msk [tilespmem:v9+s12+$0x0], $0xffff;
	[tilespmem:s26+$0x80] =	vst v23  }
0x9f: {  	v30 =	vor.u32 $0x100, v5;
	v50 =	vld.idx.msk [tilespmem:v48+s12+$0x0], $0xffff  }
0xa0: {  	v21 =	vadd.f32 v21, v27;
	v27 =	vor.u32 $0x200, v0;
	v18 =	vld.idx.msk [tilespmem:v8+s12+$0x0], $0xffff  }
0xa1: {  	v20 =	vadd.f32 v29, v20;
	v23 =	vld.idx.msk [tilespmem:v25+s12+$0x0], $0xffff;
	v25 =	vor.u32 $0x200, v1  }
0xa2: {  	v29 =	vor.u32 $0x200, v3;
	v28 =	vld.idx.msk [tilespmem:v10+s12+$0x0], $0xffff;
	v21 =	vmul.f32 $2.500000000e-01, v21  }
0xa3: {  	v20 =	vadd.f32 v22, v20;
	v22 =	vor.u32 $0x300, v12;
	v31 =	vld.idx.msk [tilespmem:v11+s12+$0x0], $0xffff  }
0xa4: {  	[tilespmem:s25+$0x180] =	vst v21;
	v21 =	vld.idx.msk [tilespmem:v30+s12+$0x0], $0xffff;
	v30 =	vor.u32 $0x100, v6  }
0xa5: {  	v47 =	vor.u32 $0x200, v2;
	v20 =	vmul.f32 $2.500000000e-01, v20;
	v27 =	vld.idx.msk [tilespmem:v27+s12+$0x0], $0xffff;
	v18 =	vadd.f32 v18, v24  }
0xa6: {  	v25 =	vld.idx.msk [tilespmem:v25+s12+$0x0], $0xffff;
	v24 =	vor.u32 $0x300, v14  }
0xa7: {  	[tilespmem:s24+$0x280] =	vst v20;
	v20 =	vld.idx.msk [tilespmem:v29+s12+$0x0], $0xffff;
	v29 =	vor.u32 $0x300, v13;
	v18 =	vadd.f32 v28, v18  }
0xa8: {  	v49 =	vor.u32 $0x300, v15;
	v22 =	vld.idx.msk [tilespmem:v22+s12+$0x0], $0xffff  }
0xa9: {  	v30 =	vld.idx.msk [tilespmem:v30+s12+$0x0], $0xffff;
	v18 =	vadd.f32 v31, v18  }
0xaa: {  	s28 =	simm.s32 $0x200;
	v51 =	vor.u32 $0x80, v9;
	v36 =	vor.u32 $0x80, v11;
	v28 =	vld.idx.msk [tilespmem:v47+s12+$0x0], $0xffff  }
0xab: {  	s28 =	sand.u32 $0x3FFFFC00, s28;
	v21 =	vadd.f32 v21, v23;
	v23 =	vld.idx.msk [tilespmem:v24+s12+$0x0], $0xffff;
	v25 =	vadd.f32 v25, v27;
	v18 =	vmul.f32 $2.500000000e-01, v18  }
0xac: {  	s2 =	sor.u32 s2, s28;
	v24 =	vor.u32 $0x80, v10;
	v29 =	vld.idx.msk [tilespmem:v29+s12+$0x0], $0xffff  }
0xad: {  	v31 =	vld.idx.msk [tilespmem:v49+s12+$0x0], $0xffff;
	v27 =	vor.u32 $0x80, v8;
	[tilespmem:s2+$0x12000] =	vst v18;
	v18 =	vadd.f32 v20, v25  }
0xae: {  	v21 =	vadd.f32 v30, v21;
	v30 =	vld [tilespmem:s0+$0x0]  }
0xaf: {  	v20 =	vld.idx.msk [tilespmem:v51+s12+$0x0], $0xffff;
	v18 =	vadd.f32 v28, v18;
	v28 =	vor.u32 $0x280, v1  }
0xb0: {  	v25 =	vor.u32 $0x180, v4;
	v36 =	vld.idx.msk [tilespmem:v36+s12+$0x0], $0xffff;
	v21 =	vadd.f32 v50, v21  }
0xb1: {  	v54 =	vor.u32 $0x180, v5;
	v24 =	vld.idx.msk [tilespmem:v24+s12+$0x0], $0xffff;
	v22 =	vadd.f32 v29, v22;
	v18 =	vmul.f32 $2.500000000e-01, v18  }
0xb2: {  	v55 =	vor.u32 $0x180, v6;
	v27 =	vld.idx.msk [tilespmem:v27+s12+$0x0], $0xffff;
	v21 =	vmul.f32 $2.500000000e-01, v21  }
0xb3: {  	v29 =	vld [tilespmem:s0+$0x100];
	[tilespmem:s25+$0x200] =	vst v18;
	v18 =	vadd.f32 v23, v22;
	v23 =	vor.u32 $0x280, v0  }
0xb4: {  	v19 =	vadd.f32 v26, v19;
	[tilespmem:s26+$0x100] =	vst v21;
	v26 =	vld.idx.msk [tilespmem:v28+s12+$0x0], $0xffff;
	v28 =	vor.u32 $0x280, v3  }
0xb5: {  	v57 =	vor.u32 $0x380, v13;
	v21 =	vld.idx.msk [tilespmem:v25+s12+$0x0], $0xffff;
	v25 =	vor.u32 $0x180, v7  }
0xb6: {  	v56 =	vor.u32 $0x380, v15;
	v22 =	vld.idx.msk [tilespmem:v54+s12+$0x0], $0xffff;
	v15 =	vadd.f32 v31, v18;
	v31 =	vor.u32 $0x280, v2  }
0xb7: {  	v12 =	vor.u32 $0x380, v12;
	v13 =	vshll.u32 v30, $0x3;
	v20 =	vadd.f32 v27, v20;
	v18 =	vld.idx.msk [tilespmem:v55+s12+$0x0], $0xffff  }
0xb8: {  	v37 =	vor.u32 $0x380, v14;
	v13 =	vand.u32 $0xFFFFFC00, v13;
	v27 =	vshll.u32 v29, $0x3;
	v23 =	vld.idx.msk [tilespmem:v23+s12+$0x0], $0xffff  }
0xb9: {  	v20 =	vadd.f32 v24, v20;
	v14 =	vmul.f32 $2.500000000e-01, v15;
	v15 =	vand.u32 $0x7F, v30;
	v28 =	vld.idx.msk [tilespmem:v28+s12+$0x0], $0xffff  }
0xba: {  	v27 =	vand.u32 $0xFFFFFC00, v27;
	v30 =	vshll.u32 v53, $0x3;
	v13 =	vor.u32 v15, v13;
	v25 =	vld.idx.msk [tilespmem:v25+s12+$0x0], $0xffff  }
0xbb: {  	v15 =	vshll.u32 v52, $0x3;
	v30 =	vand.u32 $0xFFFFFC00, v30;
	[tilespmem:s24+$0x300] =	vst v14;
	v14 =	vand.u32 $0x7F, v53;
	v24 =	vld.idx.msk [tilespmem:v31+s12+$0x0], $0xffff  }
0xbc: {  	v20 =	vadd.f32 v36, v20;
	v14 =	vor.u32 v14, v30;
	v21 =	vadd.f32 v22, v21;
	v12 =	vld.idx.msk [tilespmem:v12+s12+$0x0], $0xffff  }
0xbd: {  	v22 =	vand.u32 $0x7F, v29;
	v29 =	vor.u32 $0x100, v9;
	v30 =	vld.idx.msk [tilespmem:v57+s12+$0x0], $0xffff;
	v31 =	vand.u32 $0xFFFFFC00, v15  }
0xbe: {  	v58 =	vld.idx.msk [tilespmem:v56+s12+$0x0], $0xffff;
	v15 =	vor.u32 v22, v27;
	v22 =	vand.u32 $0x7F, v52;
	v18 =	vadd.f32 v18, v21  }
0xbf: {  	v19 =	vadd.f32 v16, v19;
	v20 =	vmul.f32 $2.500000000e-01, v20;
	v21 =	vld.idx.msk [tilespmem:v37+s12+$0x0], $0xffff;
	v16 =	vor.u32 v22, v31  }
0xc0: {  	s28 =	sadd.s32 $0x12000, s2;
	v27 =	vor.u32 $0x100, v8;
	v23 =	vadd.f32 v26, v23;
	v18 =	vadd.f32 v25, v18;
	v25 =	vld.idx.msk [tilespmem:v13+s12+$0x0], $0xffff  }
0xc1: {  	[tilespmem:s28+$0x80] =	vst v20;
	v26 =	vor.u32 $0x200, v4;
	v59 =	vld.idx.msk [tilespmem:v14+s12+$0x0], $0xffff  }
0xc2: {  	v61 =	vor.u32 $0x200, v6;
	v20 =	vadd.f32 v28, v23;
	v29 =	vld.idx.msk [tilespmem:v29+s12+$0x0], $0xffff;
	v18 =	vmul.f32 $2.500000000e-01, v18  }
0xc3: {  	v60 =	vor.u32 $0x200, v5;
	v17 =	vadd.f32 v17, v19;
	v19 =	vld.idx.msk [tilespmem:v15+s12+$0x0], $0xffff  }
0xc4: {  	v62 =	vor.u32 $0x300, v0;
	v31 =	vld.idx.msk [tilespmem:v16+s12+$0x0], $0xffff;
	[tilespmem:s26+$0x180] =	vst v18;
	v18 =	vadd.f32 v24, v20;
	v20 =	vadd.f32 v30, v12  }
0xc5: {  	v63 =	vor.u32 $0x100, v10;
	v30 =	vld.idx.msk [tilespmem:v27+s12+$0x0], $0xffff  }
0xc6: {  	v12 =	vmul.f32 $2.500000000e-01, v17;
	v23 =	vld.idx.msk [tilespmem:v26+s12+$0x0], $0xffff;
	v17 =	vmul.f32 $2.500000000e-01, v18;
	v18 =	vadd.f32 v21, v20  }
0xc7: {  	v22 =	vor.u32 $0x80, v15;
	v26 =	vor.u32 $0x200, v7;
	v24 =	vld.idx.msk [tilespmem:v61+s12+$0x0], $0xffff;
	v20 =	vadd.f32 v59, v25  }
0xc8: {  	v28 =	vor.u32 $0x100, v11;
	v27 =	vor.u32 $0x80, v13;
	v25 =	vld.idx.msk [tilespmem:v60+s12+$0x0], $0xffff;
	[tilespmem:s25+$0x280] =	vst v17;
	v17 =	vadd.f32 v58, v18  }
0xc9: {  	v21 =	vor.u32 $0x300, v1;
	v32 =	vadd.f32 v19, v20;
	v19 =	vor.u32 $0x300, v3;
	v18 =	vld.idx.msk [tilespmem:v62+s12+$0x0], $0xffff  }
0xca: {  	s31 =	simm.s32 $0x5;
	s2 =	simm.s32 $0x6;
	v20 =	vor.u32 $0x300, v2;
	v29 =	vadd.f32 v30, v29;
	v30 =	vld.idx.msk [tilespmem:v63+s12+$0x0], $0xffff;
	v17 =	vmul.f32 $2.500000000e-01, v17  }
.LBB2_3:
0xcb: {  	s3 =	sshll.u32 s2, $0x6  }
0xcc: {  	s30 =	sadd.s32 $0x10, s30;
	v26 =	vld.idx.msk [tilespmem:v26+s12+$0x0], $0xffff;
	s9 =	smov.u32 s2;
	s0 =	sadd.s32 $0x1, s2  }
0xcd: {  	p1 =	sne.s32 s2, $0x7F;
	s6 =	sand.u32 $0x70, s30;
	s3 =	sand.u32 $0x3FFFFE00, s3;
	v28 =	vld.idx.msk [tilespmem:v28+s12+$0x0], $0xffff  }
0xce: {  	v31 =	vadd.f32 v31, v32;
	v23 =	vadd.f32 v25, v23;
	s2 =	sor.u32 s6, s3;
	v21 =	vld.idx.msk [tilespmem:v21+s12+$0x0], $0xffff;
	[tilespmem:s23+$0x380] =	vst v12;
	v12 =	vmov v17;
	s23 =	smov.u32 s24;
	s24 =	smov.u32 s25  }
0xcf: {  	s3 =	sshll.u32 s31, $0x7;
	v17 =	vor.u32 $0x80, v14;
	s31 =	smov.u32 s9;
	s25 =	smov.u32 s26;
	v19 =	vld.idx.msk [tilespmem:v19+s12+$0x0], $0xffff  }
0xd0: {  	v25 =	vmul.f32 $2.500000000e-01, v31;
	s26 =	smov.u32 s28;
	s3 =	sand.u32 $0x3FFFFC00, s3;
	v23 =	vadd.f32 v24, v23;
	v20 =	vld.idx.msk [tilespmem:v20+s12+$0x0], $0xffff  }
0xd1: {  	s28 =	sor.u32 s29, s3;
	v29 =	vadd.f32 v30, v29;
	s29 =	smov.u32 s6;
	v24 =	vld [tilespmem:s2+$0x180]  }
0xd2: {  	v23 =	vadd.f32 v26, v23;
	v30 =	vld [tilespmem:s2+$0x0];
	[tilespmem:s28+$0x12000] =	vst v25  }
0xd3: {  	v26 =	vadd.f32 v28, v29;
	v25 =	vld.idx.msk [tilespmem:v27+s12+$0x0], $0xffff;
	v27 =	vor.u32 $0x180, v9  }
0xd4: {  	v29 =	vor.u32 $0x180, v8;
	v23 =	vmul.f32 $2.500000000e-01, v23;
	v18 =	vadd.f32 v21, v18;
	v28 =	vld [tilespmem:s2+$0x80]  }
0xd5: {  	v21 =	vld.idx.msk [tilespmem:v22+s12+$0x0], $0xffff;
	v22 =	vmul.f32 $2.500000000e-01, v26;
	v26 =	vor.u32 $0x280, v5  }
0xd6: {  	v31 =	vor.u32 $0x180, v10;
	v18 =	vadd.f32 v19, v18;
	v17 =	vld.idx.msk [tilespmem:v17+s12+$0x0], $0xffff;
	[tilespmem:s25+$0x200] =	vst v23  }
0xd7: {  	v32 =	vor.u32 $0x380, v2;
	v2 =	vmovc v7;
	v7 =	vmovc v11;
	v11 =	vmov v16;
	v23 =	vor.u32 $0x80, v16;
	v19 =	vld [tilespmem:s2+$0x100];
	[tilespmem:s26+$0x100] =	vst v22  }
0xd8: {  	v16 =	vor.u32 $0x180, v7;
	v18 =	vadd.f32 v20, v18;
	v20 =	vor.u32 $0x380, v0;
	v0 =	vmovc v4;
	v4 =	vmovc v9;
	v22 =	vld.idx.msk [tilespmem:v27+s12+$0x0], $0xffff  }
0xd9: {  	v33 =	vor.u32 $0x380, v1;
	v34 =	vor.u32 $0x380, v3;
	v1 =	vmovc v5;
	v9 =	vmovc v13;
	v27 =	vld.idx.msk [tilespmem:v29+s12+$0x0], $0xffff;
	v29 =	vor.u32 $0x280, v0  }
0xda: {  	v35 =	vor.u32 $0x280, v6;
	v5 =	vmovc v8;
	v8 =	vmovc v14;
	v13 =	vshll.u32 v30, $0x3;
	v18 =	vmul.f32 $2.500000000e-01, v18;
	v26 =	vld.idx.msk [tilespmem:v26+s12+$0x0], $0xffff  }
0xdb: {  	v3 =	vmovc v6;
	v6 =	vmovc v10;
	v36 =	vor.u32 $0x280, v2;
	v14 =	vand.u32 $0x7F, v30;
	v30 =	vshll.u32 v28, $0x3;
	v31 =	vld.idx.msk [tilespmem:v31+s12+$0x0], $0xffff  }
0xdc: {  	v10 =	vmovc v15;
	v38 =	vshll.u32 v24, $0x3;
	v13 =	vand.u32 $0xFFFFFC00, v13;
	v37 =	vshll.u32 v19, $0x3;
	v23 =	vld.idx.msk [tilespmem:v23+s12+$0x0], $0xffff;
	[tilespmem:s24+$0x300] =	vst v18  }
0xdd: {  	v15 =	vand.u32 $0xFFFFFC00, v38;
	v13 =	vor.u32 v14, v13;
	v17 =	vadd.f32 v17, v25;
	v18 =	vld.idx.msk [tilespmem:v16+s12+$0x0], $0xffff  }
0xde: {  	v24 =	vand.u32 $0x7F, v24;
	v14 =	vand.u32 $0x7F, v28;
	v16 =	vand.u32 $0xFFFFFC00, v30;
	v25 =	vld.idx.msk [tilespmem:v29+s12+$0x0], $0xffff  }
0xdf: {  	v14 =	vor.u32 v14, v16;
	v16 =	vor.u32 v24, v15;
	v15 =	vadd.f32 v27, v22;
	v24 =	vld.idx.msk [tilespmem:v35+s12+$0x0], $0xffff  }
0xe0: {  	v17 =	vadd.f32 v21, v17;
	v21 =	vld.idx.msk [tilespmem:v36+s12+$0x0], $0xffff  }
0xe1: {  	v19 =	vand.u32 $0x7F, v19;
	v22 =	vand.u32 $0xFFFFFC00, v37;
	v27 =	vadd.f32 v31, v15;
	v20 =	vld.idx.msk [tilespmem:v20+s12+$0x0], $0xffff  }
0xe2: {  	v15 =	vor.u32 v19, v22;
	v19 =	vor.u32 $0x100, v9;
	v17 =	vadd.f32 v23, v17;
	v23 =	vld.idx.msk [tilespmem:v33+s12+$0x0], $0xffff  }
0xe3: {  	v22 =	vor.u32 $0x80, v15;
	v18 =	vadd.f32 v18, v27;
	v27 =	vld.idx.msk [tilespmem:v34+s12+$0x0], $0xffff  }
0xe4: {  	v28 =	vor.u32 $0x100, v8;
	v17 =	vmul.f32 $2.500000000e-01, v17;
	v25 =	vadd.f32 v26, v25;
	v29 =	vld.idx.msk [tilespmem:v32+s12+$0x0], $0xffff  }
0xe5: {  	s28 =	sadd.s32 $0x12000, s28;
	v26 =	vor.u32 $0x200, v4;
	v18 =	vmul.f32 $2.500000000e-01, v18;
	v30 =	vld.idx.msk [tilespmem:v13+s12+$0x0], $0xffff  }
0xe6: {  	v32 =	vld.idx.msk [tilespmem:v14+s12+$0x0], $0xffff;
	[tilespmem:s28+$0x80] =	vst v17;
	v17 =	vadd.f32 v24, v25  }
0xe7: {  	v33 =	vld.idx.msk [tilespmem:v19+s12+$0x0], $0xffff;
	[tilespmem:s26+$0x180] =	vst v18;
	v18 =	vor.u32 $0x200, v5  }
0xe8: {  	v24 =	vor.u32 $0x200, v6;
	v20 =	vadd.f32 v23, v20;
	v19 =	vld.idx.msk [tilespmem:v15+s12+$0x0], $0xffff;
	v17 =	vadd.f32 v21, v17  }
0xe9: {  	v35 =	vor.u32 $0x300, v0;
	v34 =	vld.idx.msk [tilespmem:v28+s12+$0x0], $0xffff  }
0xea: {  	v36 =	vor.u32 $0x100, v10;
	v20 =	vadd.f32 v27, v20;
	v23 =	vld.idx.msk [tilespmem:v26+s12+$0x0], $0xffff;
	v17 =	vmul.f32 $2.500000000e-01, v17  }
.Ltmp0:
0xeb: {  	v28 =	vor.u32 $0x100, v11;
	v26 =	vor.u32 $0x200, v7;
	v31 =	vld.idx.msk [tilespmem:v16+s12+$0x0], $0xffff;
	(pc) =	sbr.rel @p1 .LBB2_3-.Ltmp0, $4  }
0xec: {  	v27 =	vor.u32 $0x80, v13;
	v30 =	vadd.f32 v32, v30;
	v25 =	vld.idx.msk [tilespmem:v18+s12+$0x0], $0xffff;
	[tilespmem:s25+$0x280] =	vst v17;
	v17 =	vadd.f32 v29, v20  }
0xed: {  	v21 =	vor.u32 $0x300, v1;
	v24 =	vld.idx.msk [tilespmem:v24+s12+$0x0], $0xffff  }
0xee: {  	v32 =	vadd.f32 v19, v30;
	v19 =	vor.u32 $0x300, v3;
	v18 =	vld.idx.msk [tilespmem:v35+s12+$0x0], $0xffff;
	v17 =	vmul.f32 $2.500000000e-01, v17  }
0xef: {  	s2 =	smov.u32 s0;
	v20 =	vor.u32 $0x300, v2;
	v29 =	vadd.f32 v34, v33;
	v30 =	vld.idx.msk [tilespmem:v36+s12+$0x0], $0xffff  }
0xf0: {  	v31 =	vadd.f32 v31, v32  }
0xf1: {  	s0 =	sshll.u32 s31, $0x7;
	v62 =	vor.u32 $0x80, v14  }
0xf2: {  	s0 =	sand.u32 $0x3FFFFC00, s0;
	v31 =	vmul.f32 $2.500000000e-01, v31  }
0xf3: {  	s0 =	sor.u32 s29, s0  }
0xf4: {  	[tilespmem:s0+$0x12000] =	vst v31  }
0xf5: {  	v63 =	vor.u32 $0x80, v16;
	v27 =	vld.idx.msk [tilespmem:v27+s12+$0x0], $0xffff  }
0xf6: {  	v32 =	vld.idx.msk [tilespmem:v62+s12+$0x0], $0xffff;
	_ =	sdelay $0x1  }
0xf7: {  	v22 =	vld.idx.msk [tilespmem:v22+s12+$0x0], $0xffff;
	_ =	sdelay $0x1  }
0xf8: {  	v31 =	vld.idx.msk [tilespmem:v63+s12+$0x0], $0xffff  }
0xf9: {  	v27 =	vadd.f32 v32, v27;
	_ =	sdelay $0x1  }
0xfa: {  	v22 =	vadd.f32 v22, v27;
	_ =	sdelay $0x1  }
0xfb: {  	v36 =	vor.u32 $0x100, v13;
	v22 =	vadd.f32 v31, v22  }
0xfc: {  	v37 =	vor.u32 $0x100, v14  }
0xfd: {  	v22 =	vmul.f32 $2.500000000e-01, v22  }
0xfe: {  	v38 =	vor.u32 $0x100, v15;
	s29 =	sadd.s32 $0x12000, s0  }
0xff: {  	[tilespmem:s29+$0x80] =	vst v22  }
0x100: {  	v39 =	vor.u32 $0x100, v16;
	v22 =	vld.idx.msk [tilespmem:v36+s12+$0x0], $0xffff  }
0x101: {  	v31 =	vld.idx.msk [tilespmem:v37+s12+$0x0], $0xffff  }
0x102: {  	v28 =	vld.idx.msk [tilespmem:v28+s12+$0x0], $0xffff  }
0x103: {  	v32 =	vld.idx.msk [tilespmem:v38+s12+$0x0], $0xffff;
	_ =	sdelay $0x1  }
0x104: {  	v29 =	vadd.f32 v30, v29;
	v27 =	vld.idx.msk [tilespmem:v39+s12+$0x0], $0xffff  }
0x105: {  	v22 =	vadd.f32 v31, v22  }
0x106: {  	v40 =	vor.u32 $0x180, v9;
	v28 =	vadd.f32 v28, v29  }
0x107: {  	v41 =	vor.u32 $0x180, v8;
	v22 =	vadd.f32 v32, v22  }
0x108: {  	v42 =	vor.u32 $0x180, v10;
	v28 =	vmul.f32 $2.500000000e-01, v28  }
0x109: {  	v43 =	vor.u32 $0x180, v13;
	v22 =	vadd.f32 v27, v22  }
0x10a: {  	v44 =	vor.u32 $0x180, v14;
	[tilespmem:s28+$0x100] =	vst v28  }
0x10b: {  	v45 =	vor.u32 $0x180, v11;
	v29 =	vld.idx.msk [tilespmem:v40+s12+$0x0], $0xffff;
	v22 =	vmul.f32 $2.500000000e-01, v22  }
0x10c: {  	v33 =	vor.u32 $0x180, v15;
	v30 =	vld.idx.msk [tilespmem:v41+s12+$0x0], $0xffff  }
0x10d: {  	v31 =	vld.idx.msk [tilespmem:v42+s12+$0x0], $0xffff;
	[tilespmem:s29+$0x100] =	vst v22  }
0x10e: {  	v46 =	vor.u32 $0x180, v16;
	v22 =	vld.idx.msk [tilespmem:v43+s12+$0x0], $0xffff  }
0x10f: {  	v28 =	vld.idx.msk [tilespmem:v44+s12+$0x0], $0xffff  }
0x110: {  	v32 =	vld.idx.msk [tilespmem:v45+s12+$0x0], $0xffff  }
0x111: {  	v29 =	vadd.f32 v30, v29;
	v47 =	vld.idx.msk [tilespmem:v33+s12+$0x0], $0xffff;
	_ =	sdelay $0x1  }
0x112: {  	v29 =	vadd.f32 v31, v29;
	v27 =	vld.idx.msk [tilespmem:v46+s12+$0x0], $0xffff  }
0x113: {  	v22 =	vadd.f32 v28, v22  }
0x114: {  	v49 =	vor.u32 $0x200, v9;
	v48 =	vadd.f32 v32, v29  }
0x115: {  	v50 =	vor.u32 $0x200, v8;
	v22 =	vadd.f32 v47, v22  }
0x116: {  	v51 =	vor.u32 $0x200, v10;
	v28 =	vmul.f32 $2.500000000e-01, v48  }
0x117: {  	v52 =	vor.u32 $0x200, v13;
	v22 =	vadd.f32 v27, v22  }
0x118: {  	v26 =	vld.idx.msk [tilespmem:v26+s12+$0x0], $0xffff;
	v53 =	vor.u32 $0x200, v14;
	[tilespmem:s28+$0x180] =	vst v28  }
0x119: {  	v54 =	vor.u32 $0x200, v11;
	v29 =	vld.idx.msk [tilespmem:v49+s12+$0x0], $0xffff;
	v22 =	vmul.f32 $2.500000000e-01, v22  }
0x11a: {  	v55 =	vor.u32 $0x200, v15;
	v31 =	vld.idx.msk [tilespmem:v50+s12+$0x0], $0xffff  }
0x11b: {  	v23 =	vadd.f32 v25, v23;
	v56 =	vld.idx.msk [tilespmem:v51+s12+$0x0], $0xffff;
	[tilespmem:s29+$0x180] =	vst v22  }
0x11c: {  	v57 =	vor.u32 $0x200, v16;
	v22 =	vld.idx.msk [tilespmem:v52+s12+$0x0], $0xffff  }
0x11d: {  	v23 =	vadd.f32 v24, v23;
	v58 =	vld.idx.msk [tilespmem:v53+s12+$0x0], $0xffff  }
0x11e: {  	v59 =	vld.idx.msk [tilespmem:v54+s12+$0x0], $0xffff  }
0x11f: {  	v23 =	vadd.f32 v26, v23;
	v62 =	vor.u32 $0x280, v4;
	v29 =	vadd.f32 v31, v29;
	v61 =	vld.idx.msk [tilespmem:v55+s12+$0x0], $0xffff  }
0x120: {  	v60 =	vor.u32 $0x280, v5  }
0x121: {  	v63 =	vor.u32 $0x280, v6;
	v23 =	vmul.f32 $2.500000000e-01, v23;
	v27 =	vld.idx.msk [tilespmem:v57+s12+$0x0], $0xffff;
	v25 =	vadd.f32 v56, v29  }
0x122: {  	v36 =	vor.u32 $0x280, v7;
	v22 =	vadd.f32 v58, v22  }
0x123: {  	[tilespmem:s26+$0x200] =	vst v23;
	v38 =	vor.u32 $0x280, v8;
	v37 =	vadd.f32 v59, v25  }
0x124: {  	v40 =	vor.u32 $0x280, v9;
	v41 =	vld.idx.msk [tilespmem:v62+s12+$0x0], $0xffff;
	v22 =	vadd.f32 v61, v22  }
0x125: {  	v39 =	vld.idx.msk [tilespmem:v60+s12+$0x0], $0xffff;
	v42 =	vor.u32 $0x280, v10;
	v23 =	vmul.f32 $2.500000000e-01, v37  }
0x126: {  	v43 =	vld.idx.msk [tilespmem:v63+s12+$0x0], $0xffff;
	v44 =	vor.u32 $0x280, v14;
	v22 =	vadd.f32 v27, v22  }
0x127: {  	v45 =	vor.u32 $0x280, v13;
	v29 =	vld.idx.msk [tilespmem:v36+s12+$0x0], $0xffff;
	[tilespmem:s28+$0x200] =	vst v23  }
0x128: {  	v46 =	vor.u32 $0x280, v11;
	v24 =	vld.idx.msk [tilespmem:v38+s12+$0x0], $0xffff;
	v22 =	vmul.f32 $2.500000000e-01, v22  }
0x129: {  	v47 =	vor.u32 $0x280, v15;
	v26 =	vld.idx.msk [tilespmem:v40+s12+$0x0], $0xffff  }
0x12a: {  	v25 =	vadd.f32 v39, v41;
	v48 =	vld.idx.msk [tilespmem:v42+s12+$0x0], $0xffff;
	[tilespmem:s29+$0x200] =	vst v22  }
0x12b: {  	v49 =	vor.u32 $0x280, v16;
	v22 =	vld.idx.msk [tilespmem:v44+s12+$0x0], $0xffff  }
0x12c: {  	v25 =	vadd.f32 v43, v25;
	v23 =	vld.idx.msk [tilespmem:v45+s12+$0x0], $0xffff  }
0x12d: {  	v50 =	vld.idx.msk [tilespmem:v46+s12+$0x0], $0xffff  }
0x12e: {  	v51 =	vor.u32 $0x300, v4;
	v25 =	vadd.f32 v29, v25;
	v24 =	vadd.f32 v24, v26;
	v52 =	vld.idx.msk [tilespmem:v47+s12+$0x0], $0xffff  }
0x12f: {  	v21 =	vld.idx.msk [tilespmem:v21+s12+$0x0], $0xffff;
	v53 =	vor.u32 $0x300, v5  }
0x130: {  	v54 =	vor.u32 $0x300, v6;
	v25 =	vmul.f32 $2.500000000e-01, v25;
	v27 =	vld.idx.msk [tilespmem:v49+s12+$0x0], $0xffff;
	v24 =	vadd.f32 v48, v24  }
0x131: {  	v19 =	vld.idx.msk [tilespmem:v19+s12+$0x0], $0xffff;
	v55 =	vor.u32 $0x300, v7;
	v22 =	vadd.f32 v22, v23  }
0x132: {  	v20 =	vld.idx.msk [tilespmem:v20+s12+$0x0], $0xffff;
	v57 =	vor.u32 $0x300, v9;
	[tilespmem:s26+$0x280] =	vst v25;
	v56 =	vadd.f32 v50, v24  }
0x133: {  	v58 =	vor.u32 $0x300, v8;
	v25 =	vld.idx.msk [tilespmem:v51+s12+$0x0], $0xffff;
	v22 =	vadd.f32 v52, v22  }
0x134: {  	v60 =	vor.u32 $0x300, v10;
	v59 =	vld.idx.msk [tilespmem:v53+s12+$0x0], $0xffff;
	v23 =	vmul.f32 $2.500000000e-01, v56  }
0x135: {  	v18 =	vadd.f32 v21, v18;
	v62 =	vor.u32 $0x300, v13;
	v61 =	vld.idx.msk [tilespmem:v54+s12+$0x0], $0xffff;
	v22 =	vadd.f32 v27, v22  }
0x136: {  	v63 =	vor.u32 $0x300, v14;
	v28 =	vld.idx.msk [tilespmem:v55+s12+$0x0], $0xffff;
	[tilespmem:s28+$0x280] =	vst v23  }
0x137: {  	v34 =	vor.u32 $0x300, v11;
	v18 =	vadd.f32 v19, v18;
	v33 =	vld.idx.msk [tilespmem:v57+s12+$0x0], $0xffff;
	v22 =	vmul.f32 $2.500000000e-01, v22  }
0x138: {  	v35 =	vor.u32 $0x300, v15;
	v29 =	vld.idx.msk [tilespmem:v58+s12+$0x0], $0xffff  }
0x139: {  	v0 =	vor.u32 $0x380, v0;
	v18 =	vadd.f32 v20, v18;
	v36 =	vld.idx.msk [tilespmem:v60+s12+$0x0], $0xffff;
	[tilespmem:s29+$0x280] =	vst v22  }
0x13a: {  	v39 =	vor.u32 $0x300, v16;
	v37 =	vadd.f32 v59, v25;
	v38 =	vld.idx.msk [tilespmem:v62+s12+$0x0], $0xffff  }
0x13b: {  	v1 =	vor.u32 $0x380, v1;
	v18 =	vmul.f32 $2.500000000e-01, v18;
	v23 =	vld.idx.msk [tilespmem:v63+s12+$0x0], $0xffff  }
0x13c: {  	v3 =	vor.u32 $0x380, v3;
	v21 =	vadd.f32 v61, v37;
	v40 =	vld.idx.msk [tilespmem:v34+s12+$0x0], $0xffff  }
0x13d: {  	v2 =	vor.u32 $0x380, v2;
	[tilespmem:s25+$0x300] =	vst v18;
	v41 =	vld.idx.msk [tilespmem:v35+s12+$0x0], $0xffff  }
0x13e: {  	v0 =	vld.idx.msk [tilespmem:v0+s12+$0x0], $0xffff;
	v42 =	vor.u32 $0x380, v4;
	v21 =	vadd.f32 v28, v21;
	v19 =	vadd.f32 v29, v33  }
0x13f: {  	v43 =	vor.u32 $0x380, v5;
	v44 =	vor.u32 $0x380, v6;
	v45 =	vld.idx.msk [tilespmem:v39+s12+$0x0], $0xffff  }
0x140: {  	v1 =	vld.idx.msk [tilespmem:v1+s12+$0x0], $0xffff;
	v21 =	vmul.f32 $2.500000000e-01, v21;
	v19 =	vadd.f32 v36, v19;
	v46 =	vadd.f32 v23, v38  }
0x141: {  	v3 =	vld.idx.msk [tilespmem:v3+s12+$0x0], $0xffff;
	v47 =	vor.u32 $0x380, v7  }
0x142: {  	v2 =	vld.idx.msk [tilespmem:v2+s12+$0x0], $0xffff;
	v48 =	vor.u32 $0x380, v9;
	[tilespmem:s26+$0x300] =	vst v21;
	v19 =	vadd.f32 v40, v19;
	v18 =	vadd.f32 v41, v46  }
0x143: {  	v49 =	vor.u32 $0x380, v8;
	v4 =	vld.idx.msk [tilespmem:v42+s12+$0x0], $0xffff  }
0x144: {  	v50 =	vor.u32 $0x380, v13;
	v5 =	vld.idx.msk [tilespmem:v43+s12+$0x0], $0xffff;
	v19 =	vmul.f32 $2.500000000e-01, v19;
	v18 =	vadd.f32 v45, v18  }
0x145: {  	v51 =	vor.u32 $0x380, v14;
	v6 =	vld.idx.msk [tilespmem:v44+s12+$0x0], $0xffff  }
0x146: {  	v52 =	vor.u32 $0x380, v10;
	v7 =	vld.idx.msk [tilespmem:v47+s12+$0x0], $0xffff;
	[tilespmem:s28+$0x300] =	vst v19;
	v18 =	vmul.f32 $2.500000000e-01, v18  }
0x147: {  	v53 =	vor.u32 $0x380, v15;
	v9 =	vld.idx.msk [tilespmem:v48+s12+$0x0], $0xffff  }
0x148: {  	v54 =	vor.u32 $0x380, v11;
	v8 =	vld.idx.msk [tilespmem:v49+s12+$0x0], $0xffff;
	[tilespmem:s29+$0x300] =	vst v18  }
0x149: {  	v55 =	vor.u32 $0x380, v16;
	v13 =	vld.idx.msk [tilespmem:v50+s12+$0x0], $0xffff  }
0x14a: {  	v14 =	vld.idx.msk [tilespmem:v51+s12+$0x0], $0xffff  }
0x14b: {  	v10 =	vld.idx.msk [tilespmem:v52+s12+$0x0], $0xffff  }
0x14c: {  	v0 =	vadd.f32 v1, v0;
	v56 =	vld.idx.msk [tilespmem:v53+s12+$0x0], $0xffff  }
0x14d: {  	v4 =	vadd.f32 v5, v4;
	v57 =	vld.idx.msk [tilespmem:v54+s12+$0x0], $0xffff  }
0x14e: {  	v0 =	vadd.f32 v3, v0;
	v58 =	vadd.f32 v8, v9;
	v59 =	vld.idx.msk [tilespmem:v55+s12+$0x0], $0xffff  }
0x14f: {  	v4 =	vadd.f32 v6, v4;
	v60 =	vadd.f32 v14, v13  }
0x150: {  	v0 =	vadd.f32 v2, v0;
	v61 =	vadd.f32 v10, v58  }
0x151: {  	v62 =	vadd.f32 v7, v4;
	v1 =	vadd.f32 v56, v60  }
0x152: {  	[tilespmem:s23+$0x380] =	vst v12;
	v0 =	vmul.f32 $2.500000000e-01, v0;
	v2 =	vadd.f32 v57, v61  }
0x153: {  	[tilespmem:s24+$0x380] =	vst v17;
	p1 =	sne.s32 s21, $0x9;
	v3 =	vmul.f32 $2.500000000e-01, v62;
	v1 =	vadd.f32 v59, v1  }
.Ltmp1:
0x154: {  	s31 =	sshll.u32 s21, $0xF;
	[tilespmem:s25+$0x380] =	vst v0;
	v63 =	vmul.f32 $2.500000000e-01, v2;
	(pc) =	sbr.rel @p1 .LBB2_6-.Ltmp1, $4  }
0x155: {  	s0 =	sadd.s32 s8, s31;
	[tilespmem:s26+$0x380] =	vst v3;
	v1 =	vmul.f32 $2.500000000e-01, v1  }
0x156: {  	s0 =	sshrl.u32 s0, $0x3;
	[tilespmem:s28+$0x380] =	vst v63  }
0x157: {  	s0 =	sadd.s32 s4, s0;
	[tilespmem:s29+$0x380] =	vst v1  }
0x158: {  	[hbm4b:s0+s5] =	stream.linear.scatter [tilespmem:s15], [sflag:$0x3], $0x4000, $0x38;
	[tilespmem:$0x1A000] =	vst v63  }
.Ltmp2:
0x159: {  	(pc) =	sbr.rel .LBB2_7-.Ltmp2, $4  }
0x15a: {  	_ = 	snop  }
0x15b: {  	_ =	swait.ge [sflag:s16], $0x8000  }
0x15c: {  	[sflag:s16] =	ssyncset.done $0x0  }
0x15d: {  	[sflag:s16] =	ssyncadd.s32 $0xFFFF8000  }
.LBB2_6:
0x15e: {  	s0 =	sshll.u32 s21, $0xD  }
.Ltmp3:
0x15f: {  	s0 =	sadd.s32 s10, s0;
	(pc) =	sbr.rel @p0 .LBB2_8-.Ltmp3, $4  }
0x160: {  	[tilespmem:s12], [sflag:$0x1] =	stream.linear.gather [hbm4b:s0+s5], $0x8000, $0x38;
	[tilespmem:$0x1A000] =	vst v63  }
0x161: {  	_ =	swait.ge [sflag:s16], $0x8000  }
0x162: {  	[sflag:s16] =	ssyncset.done $0x0  }
0x163: {  	[sflag:s16] =	ssyncadd.s32 $0xFFFF8000  }
.LBB2_7:
0x164: {  	_ =	swait.ge [sflag:s17], $0x4000  }
0x165: {  	[sflag:s17] =	ssyncset.done $0x0  }
0x166: {  	[sflag:s17] =	ssyncadd.s32 $0xFFFFC000  }
.LBB2_8:
0x167: {  	s0 =	simm.s32 $0x0;
	s2 =	simm.s32 $0x0  }
0x168: {  	s0 =	sand.u32 $0x70, s0;
	s2 =	sand.u32 $0x3FFFFE00, s2  }
0x169: {  	s2 =	sor.u32 s0, s2  }
0x16a: {  	v0 =	vld [tilespmem:s2+$0x0]  }
0x16b: {  	v1 =	vld [tilespmem:s2+$0x80];
	_ =	sdelay $0x1  }
0x16c: {  	v2 =	vld [tilespmem:s2+$0x100];
	_ =	sdelay $0x1  }
0x16d: {  	v3 =	vld [tilespmem:s2+$0x180];
	v4 =	vshll.u32 v0, $0x3  }
0x16e: {  	v0 =	vand.u32 $0x7F, v0;
	v5 =	vshll.u32 v1, $0x3;
	v4 =	vand.u32 $0xFFFFFC00, v4  }
0x16f: {  	v8 =	vor.u32 v0, v4;
	v0 =	vand.u32 $0x7F, v1;
	v1 =	vand.u32 $0xFFFFFC00, v5  }
0x170: {  	v4 =	vshll.u32 v2, $0x3;
	v9 =	vor.u32 v0, v1  }
0x171: {  	v0 =	vand.u32 $0x7F, v2;
	v1 =	vand.u32 $0xFFFFFC00, v4  }
0x172: {  	v2 =	vshll.u32 v3, $0x3;
	v10 =	vor.u32 v0, v1  }
0x173: {  	v0 =	vand.u32 $0xFFFFFC00, v2;
	v1 =	vand.u32 $0x7F, v3  }
0x174: {  	v11 =	vor.u32 v1, v0;
	v0 =	vld.idx.msk [tilespmem:v8+s13+$0x0], $0xffff  }
0x175: {  	v1 =	vld.idx.msk [tilespmem:v9+s13+$0x0], $0xffff;
	_ =	sdelay $0x1  }
0x176: {  	v2 =	vld.idx.msk [tilespmem:v10+s13+$0x0], $0xffff;
	_ =	sdelay $0x1  }
0x177: {  	v3 =	vld.idx.msk [tilespmem:v11+s13+$0x0], $0xffff  }
0x178: {  	v0 =	vadd.f32 v1, v0;
	_ =	sdelay $0x1  }
0x179: {  	v0 =	vadd.f32 v2, v0;
	_ =	sdelay $0x1  }
0x17a: {  	s26 =	simm.s32 $0x40;
	s3 =	simm.s32 $0x10;
	v1 =	vor.u32 $0x80, v8;
	v0 =	vadd.f32 v3, v0  }
0x17b: {  	s6 =	simm.s32 $0x0;
	s24 =	sand.u32 $0x70, s3;
	s2 =	sand.u32 $0x3FFFFE00, s26  }
0x17c: {  	s3 =	sand.u32 $0x3FFFFC00, s6;
	s2 =	sor.u32 s24, s2;
	v2 =	vor.u32 $0x80, v9;
	v0 =	vmul.f32 $2.500000000e-01, v0  }
0x17d: {  	s0 =	sor.u32 s0, s3;
	v7 =	vld [tilespmem:s2+$0x100]  }
0x17e: {  	v5 =	vld [tilespmem:s2+$0x0];
	v4 =	vor.u32 $0x80, v10;
	[tilespmem:s0+$0x16000] =	vst v0  }
0x17f: {  	v0 =	vld.idx.msk [tilespmem:v1+s13+$0x0], $0xffff  }
0x180: {  	v6 =	vor.u32 $0x80, v11;
	v1 =	vld [tilespmem:s2+$0x80]  }
0x181: {  	v2 =	vld.idx.msk [tilespmem:v2+s13+$0x0], $0xffff  }
0x182: {  	v3 =	vld [tilespmem:s2+$0x180]  }
0x183: {  	v12 =	vshll.u32 v5, $0x3;
	v4 =	vld.idx.msk [tilespmem:v4+s13+$0x0], $0xffff  }
0x184: {  	v5 =	vand.u32 $0x7F, v5;
	v12 =	vand.u32 $0xFFFFFC00, v12  }
0x185: {  	v12 =	vor.u32 v5, v12;
	v6 =	vld.idx.msk [tilespmem:v6+s13+$0x0], $0xffff;
	v13 =	vshll.u32 v1, $0x3  }
0x186: {  	v0 =	vadd.f32 v2, v0;
	v1 =	vand.u32 $0x7F, v1;
	v2 =	vand.u32 $0xFFFFFC00, v13  }
0x187: {  	v5 =	vshll.u32 v7, $0x3;
	v14 =	vshll.u32 v3, $0x3;
	v13 =	vor.u32 v1, v2  }
0x188: {  	v0 =	vadd.f32 v4, v0;
	v1 =	vand.u32 $0x7F, v7;
	v2 =	vand.u32 $0xFFFFFC00, v5  }
0x189: {  	v4 =	vand.u32 $0xFFFFFC00, v14;
	v14 =	vor.u32 v1, v2  }
0x18a: {  	v1 =	vand.u32 $0x7F, v3;
	v2 =	vor.u32 $0x100, v8;
	v0 =	vadd.f32 v6, v0  }
0x18b: {  	v15 =	vor.u32 v1, v4;
	v1 =	vld.idx.msk [tilespmem:v12+s13+$0x0], $0xffff  }
0x18c: {  	v3 =	vor.u32 $0x100, v9;
	v0 =	vmul.f32 $2.500000000e-01, v0;
	v4 =	vld.idx.msk [tilespmem:v13+s13+$0x0], $0xffff  }
0x18d: {  	s23 =	sadd.s32 $0x16000, s0  }
0x18e: {  	v5 =	vor.u32 $0x100, v10;
	[tilespmem:s23+$0x80] =	vst v0;
	v0 =	vld.idx.msk [tilespmem:v14+s13+$0x0], $0xffff  }
0x18f: {  	v2 =	vld.idx.msk [tilespmem:v2+s13+$0x0], $0xffff  }
0x190: {  	v7 =	vor.u32 $0x100, v11;
	v6 =	vld.idx.msk [tilespmem:v15+s13+$0x0], $0xffff  }
0x191: {  	v3 =	vld.idx.msk [tilespmem:v3+s13+$0x0], $0xffff;
	v1 =	vadd.f32 v4, v1;
	_ =	sdelay $0x1  }
0x192: {  	v0 =	vadd.f32 v0, v1;
	v1 =	vld.idx.msk [tilespmem:v5+s13+$0x0], $0xffff;
	_ =	sdelay $0x1  }
0x193: {  	s9 =	simm.s32 $0x80;
	s25 =	simm.s32 $0x20;
	v4 =	vor.u32 $0x80, v12;
	v5 =	vld.idx.msk [tilespmem:v7+s13+$0x0], $0xffff;
	v0 =	vadd.f32 v6, v0  }
0x194: {  	s26 =	simm.s32 $0x80;
	s0 =	sand.u32 $0x3FFFFE00, s9;
	s2 =	sand.u32 $0x70, s25;
	v2 =	vadd.f32 v3, v2  }
0x195: {  	s3 =	sand.u32 $0x3FFFFC00, s26;
	s0 =	sor.u32 s2, s0;
	v0 =	vmul.f32 $2.500000000e-01, v0  }
0x196: {  	s3 =	sor.u32 s24, s3;
	v19 =	vld [tilespmem:s0+$0x100];
	v6 =	vor.u32 $0x80, v13;
	v1 =	vadd.f32 v1, v2  }
0x197: {  	v3 =	vor.u32 $0x80, v14;
	v7 =	vld [tilespmem:s0+$0x180];
	[tilespmem:s3+$0x16000] =	vst v0  }
0x198: {  	v0 =	vld.idx.msk [tilespmem:v4+s13+$0x0], $0xffff;
	v1 =	vadd.f32 v5, v1;
	v4 =	vor.u32 $0x180, v8  }
0x199: {  	v16 =	vor.u32 $0x180, v9;
	v2 =	vld [tilespmem:s0+$0x0]  }
0x19a: {  	v17 =	vor.u32 $0x80, v15;
	v5 =	vld [tilespmem:s0+$0x80];
	v1 =	vmul.f32 $2.500000000e-01, v1  }
0x19b: {  	v6 =	vld.idx.msk [tilespmem:v6+s13+$0x0], $0xffff  }
0x19c: {  	v18 =	vor.u32 $0x180, v10;
	v3 =	vld.idx.msk [tilespmem:v3+s13+$0x0], $0xffff;
	[tilespmem:s23+$0x100] =	vst v1  }
0x19d: {  	v4 =	vld.idx.msk [tilespmem:v4+s13+$0x0], $0xffff  }
0x19e: {  	v1 =	vor.u32 $0x180, v11;
	v16 =	vld.idx.msk [tilespmem:v16+s13+$0x0], $0xffff  }
0x19f: {  	v22 =	vshll.u32 v19, $0x3;
	v17 =	vld.idx.msk [tilespmem:v17+s13+$0x0], $0xffff;
	v20 =	vshll.u32 v2, $0x3  }
0x1a0: {  	v2 =	vand.u32 $0x7F, v2;
	v20 =	vand.u32 $0xFFFFFC00, v20;
	v6 =	vadd.f32 v6, v0  }
0x1a1: {  	v23 =	vshll.u32 v7, $0x3;
	v21 =	vshll.u32 v5, $0x3;
	v18 =	vld.idx.msk [tilespmem:v18+s13+$0x0], $0xffff;
	v0 =	vor.u32 v2, v20  }
0x1a2: {  	v2 =	vand.u32 $0x7F, v5;
	v5 =	vand.u32 $0xFFFFFC00, v21;
	v3 =	vadd.f32 v3, v6  }
0x1a3: {  	v6 =	vld.idx.msk [tilespmem:v1+s13+$0x0], $0xffff;
	v1 =	vor.u32 v2, v5;
	v5 =	vand.u32 $0xFFFFFC00, v22;
	v2 =	vadd.f32 v16, v4  }
0x1a4: {  	v4 =	vand.u32 $0x7F, v19;
	v16 =	vadd.f32 v17, v3;
	v17 =	vor.u32 $0x100, v12  }
0x1a5: {  	v7 =	vand.u32 $0x7F, v7;
	v19 =	vand.u32 $0xFFFFFC00, v23;
	v3 =	vor.u32 v4, v5  }
0x1a6: {  	v4 =	vadd.f32 v18, v2;
	v5 =	vmul.f32 $2.500000000e-01, v16;
	v16 =	vor.u32 $0x100, v13  }
0x1a7: {  	s24 =	sadd.s32 $0x16000, s3;
	v2 =	vor.u32 v7, v19;
	v7 =	vld.idx.msk [tilespmem:v0+s13+$0x0], $0xffff  }
0x1a8: {  	v4 =	vadd.f32 v6, v4;
	v6 =	vor.u32 $0x200, v8;
	v18 =	vld.idx.msk [tilespmem:v1+s13+$0x0], $0xffff;
	[tilespmem:s24+$0x80] =	vst v5  }
0x1a9: {  	v5 =	vld.idx.msk [tilespmem:v17+s13+$0x0], $0xffff;
	v17 =	vor.u32 $0x200, v9  }
0x1aa: {  	v20 =	vor.u32 $0x100, v14;
	v4 =	vmul.f32 $2.500000000e-01, v4;
	v19 =	vld.idx.msk [tilespmem:v3+s13+$0x0], $0xffff  }
0x1ab: {  	v22 =	vor.u32 $0x100, v15;
	v16 =	vld.idx.msk [tilespmem:v16+s13+$0x0], $0xffff  }
0x1ac: {  	v21 =	vor.u32 $0x200, v10;
	[tilespmem:s23+$0x180] =	vst v4;
	v4 =	vld.idx.msk [tilespmem:v2+s13+$0x0], $0xffff  }
0x1ad: {  	v6 =	vld.idx.msk [tilespmem:v6+s13+$0x0], $0xffff;
	v7 =	vadd.f32 v18, v7  }
0x1ae: {  	v18 =	vor.u32 $0x200, v11;
	v17 =	vld.idx.msk [tilespmem:v17+s13+$0x0], $0xffff  }
0x1af: {  	s6 =	simm.s32 $0xC0;
	s9 =	simm.s32 $0x30;
	v7 =	vadd.f32 v19, v7;
	v19 =	vld.idx.msk [tilespmem:v20+s13+$0x0], $0xffff  }
0x1b0: {  	s26 =	sand.u32 $0x70, s9;
	s0 =	sand.u32 $0x3FFFFE00, s6;
	v22 =	vld.idx.msk [tilespmem:v22+s13+$0x0], $0xffff  }
0x1b1: {  	s0 =	sor.u32 s26, s0;
	v20 =	vld.idx.msk [tilespmem:v21+s13+$0x0], $0xffff;
	v21 =	vor.u32 $0x80, v0;
	v4 =	vadd.f32 v4, v7  }
0x1b2: {  	s25 =	simm.s32 $0x100;
	v25 =	vld [tilespmem:s0+$0x100];
	v5 =	vadd.f32 v16, v5  }
0x1b3: {  	s3 =	sand.u32 $0x3FFFFC00, s25;
	v7 =	vor.u32 $0x80, v3;
	v16 =	vld.idx.msk [tilespmem:v18+s13+$0x0], $0xffff;
	v4 =	vmul.f32 $2.500000000e-01, v4  }
0x1b4: {  	s2 =	sor.u32 s2, s3;
	v18 =	vld [tilespmem:s0+$0x180];
	v6 =	vadd.f32 v17, v6;
	v17 =	vor.u32 $0x80, v1;
	v5 =	vadd.f32 v19, v5  }
0x1b5: {  	v23 =	vor.u32 $0x80, v2;
	v19 =	vld [tilespmem:s0+$0x0];
	[tilespmem:s2+$0x16000] =	vst v4  }
0x1b6: {  	v4 =	vadd.f32 v20, v6;
	v20 =	vor.u32 $0x180, v12;
	v6 =	vld.idx.msk [tilespmem:v21+s13+$0x0], $0xffff;
	v5 =	vadd.f32 v22, v5  }
0x1b7: {  	v21 =	vld [tilespmem:s0+$0x80];
	v22 =	vor.u32 $0x180, v13  }
0x1b8: {  	v24 =	vor.u32 $0x180, v14;
	v7 =	vld.idx.msk [tilespmem:v7+s13+$0x0], $0xffff;
	v5 =	vmul.f32 $2.500000000e-01, v5  }
0x1b9: {  	v4 =	vadd.f32 v16, v4;
	v16 =	vor.u32 $0x280, v9;
	v17 =	vld.idx.msk [tilespmem:v17+s13+$0x0], $0xffff  }
0x1ba: {  	v26 =	vor.u32 $0x280, v8;
	v23 =	vld.idx.msk [tilespmem:v23+s13+$0x0], $0xffff;
	[tilespmem:s24+$0x100] =	vst v5  }
0x1bb: {  	v4 =	vmul.f32 $2.500000000e-01, v4;
	v5 =	vor.u32 $0x180, v15;
	v20 =	vld.idx.msk [tilespmem:v20+s13+$0x0], $0xffff  }
0x1bc: {  	v27 =	vor.u32 $0x280, v10;
	v22 =	vld.idx.msk [tilespmem:v22+s13+$0x0], $0xffff  }
0x1bd: {  	v29 =	vor.u32 $0x280, v11;
	v30 =	vshll.u32 v18, $0x3;
	[tilespmem:s23+$0x200] =	vst v4;
	v4 =	vshll.u32 v19, $0x3;
	v24 =	vld.idx.msk [tilespmem:v24+s13+$0x0], $0xffff  }
0x1be: {  	v19 =	vand.u32 $0x7F, v19;
	v16 =	vld.idx.msk [tilespmem:v16+s13+$0x0], $0xffff;
	v4 =	vand.u32 $0xFFFFFC00, v4;
	v6 =	vadd.f32 v17, v6  }
0x1bf: {  	v28 =	vshll.u32 v21, $0x3;
	v26 =	vld.idx.msk [tilespmem:v26+s13+$0x0], $0xffff;
	v17 =	vshll.u32 v25, $0x3;
	v4 =	vor.u32 v19, v4  }
0x1c0: {  	v19 =	vld.idx.msk [tilespmem:v5+s13+$0x0], $0xffff;
	v5 =	vand.u32 $0x7F, v21;
	v21 =	vand.u32 $0xFFFFFC00, v28;
	v6 =	vadd.f32 v7, v6  }
0x1c1: {  	v17 =	vand.u32 $0xFFFFFC00, v17;
	v5 =	vor.u32 v5, v21;
	v7 =	vadd.f32 v22, v20  }
0x1c2: {  	v20 =	vand.u32 $0x7F, v25;
	v21 =	vld.idx.msk [tilespmem:v27+s13+$0x0], $0xffff;
	v22 =	vadd.f32 v23, v6;
	v23 =	vor.u32 $0x100, v0  }
0x1c3: {  	v25 =	vand.u32 $0xFFFFFC00, v30;
	v6 =	vor.u32 v20, v17;
	v7 =	vadd.f32 v24, v7  }
0x1c4: {  	v17 =	vand.u32 $0x7F, v18;
	v18 =	vld.idx.msk [tilespmem:v29+s13+$0x0], $0xffff;
	v20 =	vmul.f32 $2.500000000e-01, v22;
	v22 =	vor.u32 $0x100, v1  }
0x1c5: {  	s25 =	sadd.s32 $0x16000, s2;
	v16 =	vadd.f32 v16, v26;
	v26 =	vor.u32 $0x200, v12;
	v24 =	vld.idx.msk [tilespmem:v4+s13+$0x0], $0xffff;
	v19 =	vadd.f32 v19, v7  }
0x1c6: {  	v7 =	vor.u32 v17, v25;
	v17 =	vld.idx.msk [tilespmem:v5+s13+$0x0], $0xffff;
	[tilespmem:s25+$0x80] =	vst v20  }
0x1c7: {  	v16 =	vadd.f32 v21, v16;
	v21 =	vor.u32 $0x200, v13;
	v19 =	vmul.f32 $2.500000000e-01, v19;
	v20 =	vld.idx.msk [tilespmem:v23+s13+$0x0], $0xffff  }
0x1c8: {  	v25 =	vor.u32 $0x200, v14;
	v23 =	vld.idx.msk [tilespmem:v6+s13+$0x0], $0xffff  }
0x1c9: {  	v28 =	vor.u32 $0x200, v15;
	v16 =	vadd.f32 v18, v16;
	[tilespmem:s24+$0x180] =	vst v19;
	v18 =	vld.idx.msk [tilespmem:v22+s13+$0x0], $0xffff  }
0x1ca: {  	v29 =	vor.u32 $0x100, v2;
	v26 =	vld.idx.msk [tilespmem:v26+s13+$0x0], $0xffff  }
0x1cb: {  	v19 =	vor.u32 $0x300, v8;
	v16 =	vmul.f32 $2.500000000e-01, v16;
	v27 =	vld.idx.msk [tilespmem:v7+s13+$0x0], $0xffff  }
0x1cc: {  	v22 =	vor.u32 $0x100, v3;
	v21 =	vld.idx.msk [tilespmem:v21+s13+$0x0], $0xffff;
	v17 =	vadd.f32 v17, v24  }
0x1cd: {  	v30 =	vor.u32 $0x300, v11;
	[tilespmem:s23+$0x280] =	vst v16;
	v16 =	vld.idx.msk [tilespmem:v25+s13+$0x0], $0xffff  }
0x1ce: {  	v17 =	vadd.f32 v23, v17;
	v23 =	vld.idx.msk [tilespmem:v28+s13+$0x0], $0xffff  }
0x1cf: {  	v24 =	vor.u32 $0x300, v10;
	v28 =	vld.idx.msk [tilespmem:v29+s13+$0x0], $0xffff  }
0x1d0: {  	s3 =	simm.s32 $0x100;
	s6 =	simm.s32 $0x40;
	v25 =	vor.u32 $0x300, v9;
	v19 =	vld.idx.msk [tilespmem:v19+s13+$0x0], $0xffff  }
0x1d1: {  	s2 =	sand.u32 $0x70, s6;
	s0 =	sand.u32 $0x3FFFFE00, s3;
	v22 =	vld.idx.msk [tilespmem:v22+s13+$0x0], $0xffff  }
0x1d2: {  	s0 =	sor.u32 s2, s0;
	v29 =	vor.u32 $0x80, v4;
	v17 =	vadd.f32 v27, v17;
	v27 =	vld.idx.msk [tilespmem:v30+s13+$0x0], $0xffff  }
0x1d3: {  	s9 =	simm.s32 $0x180;
	v32 =	vor.u32 $0x80, v7;
	v30 =	vld [tilespmem:s0+$0x180]  }
0x1d4: {  	s3 =	sand.u32 $0x3FFFFC00, s9;
	v18 =	vadd.f32 v18, v20;
	v20 =	vld.idx.msk [tilespmem:v24+s13+$0x0], $0xffff;
	v17 =	vmul.f32 $2.500000000e-01, v17  }
0x1d5: {  	s26 =	sor.u32 s26, s3;
	v24 =	vor.u32 $0x80, v6;
	v21 =	vadd.f32 v21, v26;
	v25 =	vld.idx.msk [tilespmem:v25+s13+$0x0], $0xffff  }
0x1d6: {  	v18 =	vadd.f32 v22, v18;
	v22 =	vld [tilespmem:s0+$0x0];
	[tilespmem:s26+$0x16000] =	vst v17  }
0x1d7: {  	v26 =	vor.u32 $0x80, v5;
	v16 =	vadd.f32 v16, v21;
	v17 =	vld.idx.msk [tilespmem:v29+s13+$0x0], $0xffff  }
0x1d8: {  	v35 =	vor.u32 $0x380, v10;
	v10 =	vld.idx.msk [tilespmem:v32+s13+$0x0], $0xffff  }
0x1d9: {  	v16 =	vadd.f32 v23, v16;
	v18 =	vadd.f32 v28, v18;
	v28 =	vld [tilespmem:s0+$0x80]  }
0x1da: {  	s30 =	simm.s32 $0x50;
	s6 =	simm.s32 $0x140;
	v21 =	vor.u32 $0x180, v0;
	v23 =	vld.idx.msk [tilespmem:v24+s13+$0x0], $0xffff  }
0x1db: {  	s29 =	sand.u32 $0x70, s30;
	v29 =	vor.u32 $0x180, v1;
	v16 =	vmul.f32 $2.500000000e-01, v16;
	v19 =	vadd.f32 v25, v19;
	v25 =	vld [tilespmem:s0+$0x100];
	s0 =	sand.u32 $0x3FFFFE00, s6  }
0x1dc: {  	v31 =	vor.u32 $0x180, v3;
	v26 =	vld.idx.msk [tilespmem:v26+s13+$0x0], $0xffff;
	v18 =	vmul.f32 $2.500000000e-01, v18;
	s0 =	sor.u32 s29, s0  }
0x1dd: {  	v24 =	vor.u32 $0x280, v13;
	[tilespmem:s24+$0x200] =	vst v16;
	v52 =	vld [tilespmem:s0+$0x180]  }
0x1de: {  	v16 =	vadd.f32 v20, v19;
	v20 =	vor.u32 $0x280, v12;
	v53 =	vld [tilespmem:s0+$0x80];
	[tilespmem:s25+$0x100] =	vst v18  }
0x1df: {  	v18 =	vld.idx.msk [tilespmem:v21+s13+$0x0], $0xffff;
	v21 =	vor.u32 $0x180, v2  }
0x1e0: {  	v19 =	vld.idx.msk [tilespmem:v29+s13+$0x0], $0xffff;
	v29 =	vor.u32 $0x280, v14  }
0x1e1: {  	v16 =	vadd.f32 v27, v16;
	v27 =	vld.idx.msk [tilespmem:v31+s13+$0x0], $0xffff;
	v31 =	vor.u32 $0x280, v15  }
0x1e2: {  	v33 =	vor.u32 $0x380, v8;
	v34 =	vor.u32 $0x380, v9;
	v11 =	vor.u32 $0x380, v11;
	v24 =	vld.idx.msk [tilespmem:v24+s13+$0x0], $0xffff  }
0x1e3: {  	v48 =	vor.u32 $0x100, v7;
	v8 =	vshll.u32 v22, $0x3;
	v17 =	vadd.f32 v26, v17;
	v20 =	vld.idx.msk [tilespmem:v20+s13+$0x0], $0xffff  }
0x1e4: {  	v9 =	vand.u32 $0x7F, v22;
	v8 =	vand.u32 $0xFFFFFC00, v8;
	v16 =	vmul.f32 $2.500000000e-01, v16;
	v21 =	vld.idx.msk [tilespmem:v21+s13+$0x0], $0xffff  }
0x1e5: {  	v22 =	vshll.u32 v28, $0x3;
	v9 =	vor.u32 v9, v8;
	v17 =	vadd.f32 v23, v17;
	v29 =	vld.idx.msk [tilespmem:v29+s13+$0x0], $0xffff  }
0x1e6: {  	v8 =	vand.u32 $0x7F, v28;
	v26 =	vshll.u32 v25, $0x3;
	[tilespmem:s23+$0x300] =	vst v16;
	v16 =	vand.u32 $0xFFFFFC00, v22;
	v22 =	vld.idx.msk [tilespmem:v31+s13+$0x0], $0xffff  }
0x1e7: {  	v17 =	vadd.f32 v10, v17;
	v8 =	vor.u32 v8, v16;
	v16 =	vadd.f32 v19, v18;
	v19 =	vld.idx.msk [tilespmem:v33+s13+$0x0], $0xffff  }
0x1e8: {  	v46 =	vshll.u32 v30, $0x3;
	v23 =	vand.u32 $0xFFFFFC00, v26;
	v18 =	vand.u32 $0x7F, v25;
	v26 =	vld.idx.msk [tilespmem:v34+s13+$0x0], $0xffff  }
0x1e9: {  	v25 =	vor.u32 $0x100, v4;
	v10 =	vor.u32 v18, v23;
	v23 =	vmul.f32 $2.500000000e-01, v17;
	v17 =	vld.idx.msk [tilespmem:v11+s13+$0x0], $0xffff  }
0x1ea: {  	s26 =	sadd.s32 $0x16000, s26;
	v28 =	vand.u32 $0xFFFFFC00, v46;
	v18 =	vand.u32 $0x7F, v30;
	v27 =	vadd.f32 v27, v16;
	v16 =	vld.idx.msk [tilespmem:v35+s13+$0x0], $0xffff  }
0x1eb: {  	v11 =	vor.u32 v18, v28;
	v20 =	vadd.f32 v24, v20;
	v24 =	vld.idx.msk [tilespmem:v9+s13+$0x0], $0xffff;
	[tilespmem:s26+$0x80] =	vst v23  }
0x1ec: {  	v30 =	vor.u32 $0x100, v5;
	v50 =	vld.idx.msk [tilespmem:v48+s13+$0x0], $0xffff  }
0x1ed: {  	v21 =	vadd.f32 v21, v27;
	v27 =	vor.u32 $0x200, v0;
	v18 =	vld.idx.msk [tilespmem:v8+s13+$0x0], $0xffff  }
0x1ee: {  	v20 =	vadd.f32 v29, v20;
	v23 =	vld.idx.msk [tilespmem:v25+s13+$0x0], $0xffff;
	v25 =	vor.u32 $0x200, v1  }
0x1ef: {  	v29 =	vor.u32 $0x200, v3;
	v28 =	vld.idx.msk [tilespmem:v10+s13+$0x0], $0xffff;
	v21 =	vmul.f32 $2.500000000e-01, v21  }
0x1f0: {  	v20 =	vadd.f32 v22, v20;
	v22 =	vor.u32 $0x300, v12;
	v31 =	vld.idx.msk [tilespmem:v11+s13+$0x0], $0xffff  }
0x1f1: {  	[tilespmem:s25+$0x180] =	vst v21;
	v21 =	vld.idx.msk [tilespmem:v30+s13+$0x0], $0xffff;
	v30 =	vor.u32 $0x100, v6  }
0x1f2: {  	v47 =	vor.u32 $0x200, v2;
	v20 =	vmul.f32 $2.500000000e-01, v20;
	v27 =	vld.idx.msk [tilespmem:v27+s13+$0x0], $0xffff;
	v18 =	vadd.f32 v18, v24  }
0x1f3: {  	v25 =	vld.idx.msk [tilespmem:v25+s13+$0x0], $0xffff;
	v24 =	vor.u32 $0x300, v14  }
0x1f4: {  	[tilespmem:s24+$0x280] =	vst v20;
	v20 =	vld.idx.msk [tilespmem:v29+s13+$0x0], $0xffff;
	v29 =	vor.u32 $0x300, v13;
	v18 =	vadd.f32 v28, v18  }
0x1f5: {  	v49 =	vor.u32 $0x300, v15;
	v22 =	vld.idx.msk [tilespmem:v22+s13+$0x0], $0xffff  }
0x1f6: {  	v30 =	vld.idx.msk [tilespmem:v30+s13+$0x0], $0xffff;
	v18 =	vadd.f32 v31, v18  }
0x1f7: {  	s9 =	simm.s32 $0x200;
	v51 =	vor.u32 $0x80, v9;
	v36 =	vor.u32 $0x80, v11;
	v28 =	vld.idx.msk [tilespmem:v47+s13+$0x0], $0xffff  }
0x1f8: {  	s3 =	sand.u32 $0x3FFFFC00, s9;
	v21 =	vadd.f32 v21, v23;
	v23 =	vld.idx.msk [tilespmem:v24+s13+$0x0], $0xffff;
	v25 =	vadd.f32 v25, v27;
	v18 =	vmul.f32 $2.500000000e-01, v18  }
0x1f9: {  	s2 =	sor.u32 s2, s3;
	v24 =	vor.u32 $0x80, v10;
	v29 =	vld.idx.msk [tilespmem:v29+s13+$0x0], $0xffff  }
0x1fa: {  	v31 =	vld.idx.msk [tilespmem:v49+s13+$0x0], $0xffff;
	v27 =	vor.u32 $0x80, v8;
	[tilespmem:s2+$0x16000] =	vst v18;
	v18 =	vadd.f32 v20, v25  }
0x1fb: {  	v21 =	vadd.f32 v30, v21;
	v30 =	vld [tilespmem:s0+$0x0]  }
0x1fc: {  	v20 =	vld.idx.msk [tilespmem:v51+s13+$0x0], $0xffff;
	v18 =	vadd.f32 v28, v18;
	v28 =	vor.u32 $0x280, v1  }
0x1fd: {  	v25 =	vor.u32 $0x180, v4;
	v36 =	vld.idx.msk [tilespmem:v36+s13+$0x0], $0xffff;
	v21 =	vadd.f32 v50, v21  }
0x1fe: {  	v54 =	vor.u32 $0x180, v5;
	v24 =	vld.idx.msk [tilespmem:v24+s13+$0x0], $0xffff;
	v22 =	vadd.f32 v29, v22;
	v18 =	vmul.f32 $2.500000000e-01, v18  }
0x1ff: {  	v55 =	vor.u32 $0x180, v6;
	v27 =	vld.idx.msk [tilespmem:v27+s13+$0x0], $0xffff;
	v21 =	vmul.f32 $2.500000000e-01, v21  }
0x200: {  	v29 =	vld [tilespmem:s0+$0x100];
	[tilespmem:s25+$0x200] =	vst v18;
	v18 =	vadd.f32 v23, v22;
	v23 =	vor.u32 $0x280, v0  }
0x201: {  	v19 =	vadd.f32 v26, v19;
	[tilespmem:s26+$0x100] =	vst v21;
	v26 =	vld.idx.msk [tilespmem:v28+s13+$0x0], $0xffff;
	v28 =	vor.u32 $0x280, v3  }
0x202: {  	v57 =	vor.u32 $0x380, v13;
	v21 =	vld.idx.msk [tilespmem:v25+s13+$0x0], $0xffff;
	v25 =	vor.u32 $0x180, v7  }
0x203: {  	v56 =	vor.u32 $0x380, v15;
	v22 =	vld.idx.msk [tilespmem:v54+s13+$0x0], $0xffff;
	v15 =	vadd.f32 v31, v18;
	v31 =	vor.u32 $0x280, v2  }
0x204: {  	v12 =	vor.u32 $0x380, v12;
	v13 =	vshll.u32 v30, $0x3;
	v20 =	vadd.f32 v27, v20;
	v18 =	vld.idx.msk [tilespmem:v55+s13+$0x0], $0xffff  }
0x205: {  	v37 =	vor.u32 $0x380, v14;
	v13 =	vand.u32 $0xFFFFFC00, v13;
	v27 =	vshll.u32 v29, $0x3;
	v23 =	vld.idx.msk [tilespmem:v23+s13+$0x0], $0xffff  }
0x206: {  	v20 =	vadd.f32 v24, v20;
	v14 =	vmul.f32 $2.500000000e-01, v15;
	v15 =	vand.u32 $0x7F, v30;
	v28 =	vld.idx.msk [tilespmem:v28+s13+$0x0], $0xffff  }
0x207: {  	v27 =	vand.u32 $0xFFFFFC00, v27;
	v30 =	vshll.u32 v53, $0x3;
	v13 =	vor.u32 v15, v13;
	v25 =	vld.idx.msk [tilespmem:v25+s13+$0x0], $0xffff  }
0x208: {  	v15 =	vshll.u32 v52, $0x3;
	v30 =	vand.u32 $0xFFFFFC00, v30;
	[tilespmem:s24+$0x300] =	vst v14;
	v14 =	vand.u32 $0x7F, v53;
	v24 =	vld.idx.msk [tilespmem:v31+s13+$0x0], $0xffff  }
0x209: {  	v20 =	vadd.f32 v36, v20;
	v14 =	vor.u32 v14, v30;
	v21 =	vadd.f32 v22, v21;
	v12 =	vld.idx.msk [tilespmem:v12+s13+$0x0], $0xffff  }
0x20a: {  	v22 =	vand.u32 $0x7F, v29;
	v29 =	vor.u32 $0x100, v9;
	v30 =	vld.idx.msk [tilespmem:v57+s13+$0x0], $0xffff;
	v31 =	vand.u32 $0xFFFFFC00, v15  }
0x20b: {  	v58 =	vld.idx.msk [tilespmem:v56+s13+$0x0], $0xffff;
	v15 =	vor.u32 v22, v27;
	v22 =	vand.u32 $0x7F, v52;
	v18 =	vadd.f32 v18, v21  }
0x20c: {  	v19 =	vadd.f32 v16, v19;
	v20 =	vmul.f32 $2.500000000e-01, v20;
	v21 =	vld.idx.msk [tilespmem:v37+s13+$0x0], $0xffff;
	v16 =	vor.u32 v22, v31  }
0x20d: {  	s28 =	sadd.s32 $0x16000, s2;
	v27 =	vor.u32 $0x100, v8;
	v23 =	vadd.f32 v26, v23;
	v18 =	vadd.f32 v25, v18;
	v25 =	vld.idx.msk [tilespmem:v13+s13+$0x0], $0xffff  }
0x20e: {  	[tilespmem:s28+$0x80] =	vst v20;
	v26 =	vor.u32 $0x200, v4;
	v59 =	vld.idx.msk [tilespmem:v14+s13+$0x0], $0xffff  }
0x20f: {  	v61 =	vor.u32 $0x200, v6;
	v20 =	vadd.f32 v28, v23;
	v29 =	vld.idx.msk [tilespmem:v29+s13+$0x0], $0xffff;
	v18 =	vmul.f32 $2.500000000e-01, v18  }
0x210: {  	v60 =	vor.u32 $0x200, v5;
	v17 =	vadd.f32 v17, v19;
	v19 =	vld.idx.msk [tilespmem:v15+s13+$0x0], $0xffff  }
0x211: {  	v62 =	vor.u32 $0x300, v0;
	v31 =	vld.idx.msk [tilespmem:v16+s13+$0x0], $0xffff;
	[tilespmem:s26+$0x180] =	vst v18;
	v18 =	vadd.f32 v24, v20;
	v20 =	vadd.f32 v30, v12  }
0x212: {  	v63 =	vor.u32 $0x100, v10;
	v30 =	vld.idx.msk [tilespmem:v27+s13+$0x0], $0xffff  }
0x213: {  	v12 =	vmul.f32 $2.500000000e-01, v17;
	v23 =	vld.idx.msk [tilespmem:v26+s13+$0x0], $0xffff;
	v17 =	vmul.f32 $2.500000000e-01, v18;
	v18 =	vadd.f32 v21, v20  }
0x214: {  	v22 =	vor.u32 $0x80, v15;
	v26 =	vor.u32 $0x200, v7;
	v24 =	vld.idx.msk [tilespmem:v61+s13+$0x0], $0xffff;
	v20 =	vadd.f32 v59, v25  }
0x215: {  	v28 =	vor.u32 $0x100, v11;
	v27 =	vor.u32 $0x80, v13;
	v25 =	vld.idx.msk [tilespmem:v60+s13+$0x0], $0xffff;
	[tilespmem:s25+$0x280] =	vst v17;
	v17 =	vadd.f32 v58, v18  }
0x216: {  	v21 =	vor.u32 $0x300, v1;
	v32 =	vadd.f32 v19, v20;
	v19 =	vor.u32 $0x300, v3;
	v18 =	vld.idx.msk [tilespmem:v62+s13+$0x0], $0xffff  }
0x217: {  	s31 =	simm.s32 $0x5;
	s0 =	simm.s32 $0x6;
	v20 =	vor.u32 $0x300, v2;
	v29 =	vadd.f32 v30, v29;
	v30 =	vld.idx.msk [tilespmem:v63+s13+$0x0], $0xffff;
	v17 =	vmul.f32 $2.500000000e-01, v17  }
.LBB2_9:
0x218: {  	s3 =	sshll.u32 s0, $0x6  }
0x219: {  	s30 =	sadd.s32 $0x10, s30;
	v26 =	vld.idx.msk [tilespmem:v26+s13+$0x0], $0xffff;
	s6 =	smov.u32 s0;
	s2 =	sadd.s32 $0x1, s0  }
0x21a: {  	p0 =	sne.s32 s0, $0x7F;
	s9 =	sand.u32 $0x70, s30;
	s3 =	sand.u32 $0x3FFFFE00, s3;
	v28 =	vld.idx.msk [tilespmem:v28+s13+$0x0], $0xffff  }
0x21b: {  	v31 =	vadd.f32 v31, v32;
	v23 =	vadd.f32 v25, v23;
	s0 =	sor.u32 s9, s3;
	v21 =	vld.idx.msk [tilespmem:v21+s13+$0x0], $0xffff;
	[tilespmem:s23+$0x380] =	vst v12;
	v12 =	vmov v17;
	s23 =	smov.u32 s24;
	s24 =	smov.u32 s25  }
0x21c: {  	s3 =	sshll.u32 s31, $0x7;
	v17 =	vor.u32 $0x80, v14;
	s31 =	smov.u32 s6;
	s25 =	smov.u32 s26;
	v19 =	vld.idx.msk [tilespmem:v19+s13+$0x0], $0xffff  }
0x21d: {  	v25 =	vmul.f32 $2.500000000e-01, v31;
	s26 =	smov.u32 s28;
	s3 =	sand.u32 $0x3FFFFC00, s3;
	v23 =	vadd.f32 v24, v23;
	v20 =	vld.idx.msk [tilespmem:v20+s13+$0x0], $0xffff  }
0x21e: {  	s28 =	sor.u32 s29, s3;
	v29 =	vadd.f32 v30, v29;
	s29 =	smov.u32 s9;
	v24 =	vld [tilespmem:s0+$0x180]  }
0x21f: {  	v23 =	vadd.f32 v26, v23;
	v30 =	vld [tilespmem:s0+$0x0];
	[tilespmem:s28+$0x16000] =	vst v25  }
0x220: {  	v26 =	vadd.f32 v28, v29;
	v25 =	vld.idx.msk [tilespmem:v27+s13+$0x0], $0xffff;
	v27 =	vor.u32 $0x180, v9  }
0x221: {  	v29 =	vor.u32 $0x180, v8;
	v23 =	vmul.f32 $2.500000000e-01, v23;
	v18 =	vadd.f32 v21, v18;
	v28 =	vld [tilespmem:s0+$0x80]  }
0x222: {  	v21 =	vld.idx.msk [tilespmem:v22+s13+$0x0], $0xffff;
	v22 =	vmul.f32 $2.500000000e-01, v26;
	v26 =	vor.u32 $0x280, v5  }
0x223: {  	v31 =	vor.u32 $0x180, v10;
	v18 =	vadd.f32 v19, v18;
	v17 =	vld.idx.msk [tilespmem:v17+s13+$0x0], $0xffff;
	[tilespmem:s25+$0x200] =	vst v23  }
0x224: {  	v32 =	vor.u32 $0x380, v2;
	v2 =	vmovc v7;
	v7 =	vmovc v11;
	v11 =	vmov v16;
	v23 =	vor.u32 $0x80, v16;
	v19 =	vld [tilespmem:s0+$0x100];
	[tilespmem:s26+$0x100] =	vst v22  }
0x225: {  	v16 =	vor.u32 $0x180, v7;
	v18 =	vadd.f32 v20, v18;
	v20 =	vor.u32 $0x380, v0;
	v0 =	vmovc v4;
	v4 =	vmovc v9;
	v22 =	vld.idx.msk [tilespmem:v27+s13+$0x0], $0xffff  }
0x226: {  	v33 =	vor.u32 $0x380, v1;
	v34 =	vor.u32 $0x380, v3;
	v1 =	vmovc v5;
	v9 =	vmovc v13;
	v27 =	vld.idx.msk [tilespmem:v29+s13+$0x0], $0xffff;
	v29 =	vor.u32 $0x280, v0  }
0x227: {  	v35 =	vor.u32 $0x280, v6;
	v5 =	vmovc v8;
	v8 =	vmovc v14;
	v13 =	vshll.u32 v30, $0x3;
	v18 =	vmul.f32 $2.500000000e-01, v18;
	v26 =	vld.idx.msk [tilespmem:v26+s13+$0x0], $0xffff  }
0x228: {  	v3 =	vmovc v6;
	v6 =	vmovc v10;
	v36 =	vor.u32 $0x280, v2;
	v14 =	vand.u32 $0x7F, v30;
	v30 =	vshll.u32 v28, $0x3;
	v31 =	vld.idx.msk [tilespmem:v31+s13+$0x0], $0xffff  }
0x229: {  	v10 =	vmovc v15;
	v38 =	vshll.u32 v24, $0x3;
	v13 =	vand.u32 $0xFFFFFC00, v13;
	v37 =	vshll.u32 v19, $0x3;
	v23 =	vld.idx.msk [tilespmem:v23+s13+$0x0], $0xffff;
	[tilespmem:s24+$0x300] =	vst v18  }
0x22a: {  	v15 =	vand.u32 $0xFFFFFC00, v38;
	v13 =	vor.u32 v14, v13;
	v17 =	vadd.f32 v17, v25;
	v18 =	vld.idx.msk [tilespmem:v16+s13+$0x0], $0xffff  }
0x22b: {  	v24 =	vand.u32 $0x7F, v24;
	v14 =	vand.u32 $0x7F, v28;
	v16 =	vand.u32 $0xFFFFFC00, v30;
	v25 =	vld.idx.msk [tilespmem:v29+s13+$0x0], $0xffff  }
0x22c: {  	v14 =	vor.u32 v14, v16;
	v16 =	vor.u32 v24, v15;
	v15 =	vadd.f32 v27, v22;
	v24 =	vld.idx.msk [tilespmem:v35+s13+$0x0], $0xffff  }
0x22d: {  	v17 =	vadd.f32 v21, v17;
	v21 =	vld.idx.msk [tilespmem:v36+s13+$0x0], $0xffff  }
0x22e: {  	v19 =	vand.u32 $0x7F, v19;
	v22 =	vand.u32 $0xFFFFFC00, v37;
	v27 =	vadd.f32 v31, v15;
	v20 =	vld.idx.msk [tilespmem:v20+s13+$0x0], $0xffff  }
0x22f: {  	v15 =	vor.u32 v19, v22;
	v19 =	vor.u32 $0x100, v9;
	v17 =	vadd.f32 v23, v17;
	v23 =	vld.idx.msk [tilespmem:v33+s13+$0x0], $0xffff  }
0x230: {  	v22 =	vor.u32 $0x80, v15;
	v18 =	vadd.f32 v18, v27;
	v27 =	vld.idx.msk [tilespmem:v34+s13+$0x0], $0xffff  }
0x231: {  	v28 =	vor.u32 $0x100, v8;
	v17 =	vmul.f32 $2.500000000e-01, v17;
	v25 =	vadd.f32 v26, v25;
	v29 =	vld.idx.msk [tilespmem:v32+s13+$0x0], $0xffff  }
0x232: {  	s28 =	sadd.s32 $0x16000, s28;
	v26 =	vor.u32 $0x200, v4;
	v18 =	vmul.f32 $2.500000000e-01, v18;
	v30 =	vld.idx.msk [tilespmem:v13+s13+$0x0], $0xffff  }
0x233: {  	v32 =	vld.idx.msk [tilespmem:v14+s13+$0x0], $0xffff;
	[tilespmem:s28+$0x80] =	vst v17;
	v17 =	vadd.f32 v24, v25  }
0x234: {  	v33 =	vld.idx.msk [tilespmem:v19+s13+$0x0], $0xffff;
	[tilespmem:s26+$0x180] =	vst v18;
	v18 =	vor.u32 $0x200, v5  }
0x235: {  	v24 =	vor.u32 $0x200, v6;
	v20 =	vadd.f32 v23, v20;
	v19 =	vld.idx.msk [tilespmem:v15+s13+$0x0], $0xffff;
	v17 =	vadd.f32 v21, v17  }
0x236: {  	v35 =	vor.u32 $0x300, v0;
	v34 =	vld.idx.msk [tilespmem:v28+s13+$0x0], $0xffff  }
0x237: {  	v36 =	vor.u32 $0x100, v10;
	v20 =	vadd.f32 v27, v20;
	v23 =	vld.idx.msk [tilespmem:v26+s13+$0x0], $0xffff;
	v17 =	vmul.f32 $2.500000000e-01, v17  }
.Ltmp4:
0x238: {  	v28 =	vor.u32 $0x100, v11;
	v26 =	vor.u32 $0x200, v7;
	v31 =	vld.idx.msk [tilespmem:v16+s13+$0x0], $0xffff;
	(pc) =	sbr.rel @p0 .LBB2_9-.Ltmp4, $4  }
0x239: {  	v27 =	vor.u32 $0x80, v13;
	v30 =	vadd.f32 v32, v30;
	v25 =	vld.idx.msk [tilespmem:v18+s13+$0x0], $0xffff;
	[tilespmem:s25+$0x280] =	vst v17;
	v17 =	vadd.f32 v29, v20  }
0x23a: {  	v21 =	vor.u32 $0x300, v1;
	v24 =	vld.idx.msk [tilespmem:v24+s13+$0x0], $0xffff  }
0x23b: {  	v32 =	vadd.f32 v19, v30;
	v19 =	vor.u32 $0x300, v3;
	v18 =	vld.idx.msk [tilespmem:v35+s13+$0x0], $0xffff;
	v17 =	vmul.f32 $2.500000000e-01, v17  }
0x23c: {  	s0 =	smov.u32 s2;
	v20 =	vor.u32 $0x300, v2;
	v29 =	vadd.f32 v34, v33;
	v30 =	vld.idx.msk [tilespmem:v36+s13+$0x0], $0xffff  }
0x23d: {  	v31 =	vadd.f32 v31, v32  }
0x23e: {  	s0 =	sshll.u32 s31, $0x7;
	v62 =	vor.u32 $0x80, v14  }
0x23f: {  	s0 =	sand.u32 $0x3FFFFC00, s0;
	v31 =	vmul.f32 $2.500000000e-01, v31  }
0x240: {  	s0 =	sor.u32 s29, s0  }
0x241: {  	[tilespmem:s0+$0x16000] =	vst v31  }
0x242: {  	v63 =	vor.u32 $0x80, v16;
	v27 =	vld.idx.msk [tilespmem:v27+s13+$0x0], $0xffff  }
0x243: {  	v32 =	vld.idx.msk [tilespmem:v62+s13+$0x0], $0xffff;
	_ =	sdelay $0x1  }
0x244: {  	v22 =	vld.idx.msk [tilespmem:v22+s13+$0x0], $0xffff;
	_ =	sdelay $0x1  }
0x245: {  	v31 =	vld.idx.msk [tilespmem:v63+s13+$0x0], $0xffff  }
0x246: {  	v27 =	vadd.f32 v32, v27;
	_ =	sdelay $0x1  }
0x247: {  	v22 =	vadd.f32 v22, v27;
	_ =	sdelay $0x1  }
0x248: {  	v36 =	vor.u32 $0x100, v13;
	v22 =	vadd.f32 v31, v22  }
0x249: {  	v37 =	vor.u32 $0x100, v14  }
0x24a: {  	v22 =	vmul.f32 $2.500000000e-01, v22  }
0x24b: {  	v38 =	vor.u32 $0x100, v15;
	s29 =	sadd.s32 $0x16000, s0  }
0x24c: {  	[tilespmem:s29+$0x80] =	vst v22  }
0x24d: {  	v39 =	vor.u32 $0x100, v16;
	v22 =	vld.idx.msk [tilespmem:v36+s13+$0x0], $0xffff  }
0x24e: {  	v31 =	vld.idx.msk [tilespmem:v37+s13+$0x0], $0xffff  }
0x24f: {  	v28 =	vld.idx.msk [tilespmem:v28+s13+$0x0], $0xffff  }
0x250: {  	v32 =	vld.idx.msk [tilespmem:v38+s13+$0x0], $0xffff;
	_ =	sdelay $0x1  }
0x251: {  	v29 =	vadd.f32 v30, v29;
	v27 =	vld.idx.msk [tilespmem:v39+s13+$0x0], $0xffff  }
0x252: {  	v22 =	vadd.f32 v31, v22  }
0x253: {  	v40 =	vor.u32 $0x180, v9;
	v28 =	vadd.f32 v28, v29  }
0x254: {  	v41 =	vor.u32 $0x180, v8;
	v22 =	vadd.f32 v32, v22  }
0x255: {  	v42 =	vor.u32 $0x180, v10;
	v28 =	vmul.f32 $2.500000000e-01, v28  }
0x256: {  	v43 =	vor.u32 $0x180, v13;
	v22 =	vadd.f32 v27, v22  }
0x257: {  	v44 =	vor.u32 $0x180, v14;
	[tilespmem:s28+$0x100] =	vst v28  }
0x258: {  	v45 =	vor.u32 $0x180, v11;
	v29 =	vld.idx.msk [tilespmem:v40+s13+$0x0], $0xffff;
	v22 =	vmul.f32 $2.500000000e-01, v22  }
0x259: {  	v33 =	vor.u32 $0x180, v15;
	v30 =	vld.idx.msk [tilespmem:v41+s13+$0x0], $0xffff  }
0x25a: {  	v31 =	vld.idx.msk [tilespmem:v42+s13+$0x0], $0xffff;
	[tilespmem:s29+$0x100] =	vst v22  }
0x25b: {  	v46 =	vor.u32 $0x180, v16;
	v22 =	vld.idx.msk [tilespmem:v43+s13+$0x0], $0xffff  }
0x25c: {  	v28 =	vld.idx.msk [tilespmem:v44+s13+$0x0], $0xffff  }
0x25d: {  	v32 =	vld.idx.msk [tilespmem:v45+s13+$0x0], $0xffff  }
0x25e: {  	v29 =	vadd.f32 v30, v29;
	v47 =	vld.idx.msk [tilespmem:v33+s13+$0x0], $0xffff;
	_ =	sdelay $0x1  }
0x25f: {  	v29 =	vadd.f32 v31, v29;
	v27 =	vld.idx.msk [tilespmem:v46+s13+$0x0], $0xffff  }
0x260: {  	v22 =	vadd.f32 v28, v22  }
0x261: {  	v49 =	vor.u32 $0x200, v9;
	v48 =	vadd.f32 v32, v29  }
0x262: {  	v50 =	vor.u32 $0x200, v8;
	v22 =	vadd.f32 v47, v22  }
0x263: {  	v51 =	vor.u32 $0x200, v10;
	v28 =	vmul.f32 $2.500000000e-01, v48  }
0x264: {  	v52 =	vor.u32 $0x200, v13;
	v22 =	vadd.f32 v27, v22  }
0x265: {  	v26 =	vld.idx.msk [tilespmem:v26+s13+$0x0], $0xffff;
	v53 =	vor.u32 $0x200, v14;
	[tilespmem:s28+$0x180] =	vst v28  }
0x266: {  	v54 =	vor.u32 $0x200, v11;
	v29 =	vld.idx.msk [tilespmem:v49+s13+$0x0], $0xffff;
	v22 =	vmul.f32 $2.500000000e-01, v22  }
0x267: {  	v55 =	vor.u32 $0x200, v15;
	v31 =	vld.idx.msk [tilespmem:v50+s13+$0x0], $0xffff  }
0x268: {  	v23 =	vadd.f32 v25, v23;
	v56 =	vld.idx.msk [tilespmem:v51+s13+$0x0], $0xffff;
	[tilespmem:s29+$0x180] =	vst v22  }
0x269: {  	v57 =	vor.u32 $0x200, v16;
	v22 =	vld.idx.msk [tilespmem:v52+s13+$0x0], $0xffff  }
0x26a: {  	v23 =	vadd.f32 v24, v23;
	v58 =	vld.idx.msk [tilespmem:v53+s13+$0x0], $0xffff  }
0x26b: {  	v59 =	vld.idx.msk [tilespmem:v54+s13+$0x0], $0xffff  }
0x26c: {  	v23 =	vadd.f32 v26, v23;
	v62 =	vor.u32 $0x280, v4;
	v29 =	vadd.f32 v31, v29;
	v61 =	vld.idx.msk [tilespmem:v55+s13+$0x0], $0xffff  }
0x26d: {  	v60 =	vor.u32 $0x280, v5  }
0x26e: {  	v63 =	vor.u32 $0x280, v6;
	v23 =	vmul.f32 $2.500000000e-01, v23;
	v27 =	vld.idx.msk [tilespmem:v57+s13+$0x0], $0xffff;
	v25 =	vadd.f32 v56, v29  }
0x26f: {  	v36 =	vor.u32 $0x280, v7;
	v22 =	vadd.f32 v58, v22  }
0x270: {  	[tilespmem:s26+$0x200] =	vst v23;
	v38 =	vor.u32 $0x280, v8;
	v37 =	vadd.f32 v59, v25  }
0x271: {  	v40 =	vor.u32 $0x280, v9;
	v41 =	vld.idx.msk [tilespmem:v62+s13+$0x0], $0xffff;
	v22 =	vadd.f32 v61, v22  }
0x272: {  	v39 =	vld.idx.msk [tilespmem:v60+s13+$0x0], $0xffff;
	v42 =	vor.u32 $0x280, v10;
	v23 =	vmul.f32 $2.500000000e-01, v37  }
0x273: {  	v43 =	vld.idx.msk [tilespmem:v63+s13+$0x0], $0xffff;
	v44 =	vor.u32 $0x280, v14;
	v22 =	vadd.f32 v27, v22  }
0x274: {  	v45 =	vor.u32 $0x280, v13;
	v29 =	vld.idx.msk [tilespmem:v36+s13+$0x0], $0xffff;
	[tilespmem:s28+$0x200] =	vst v23  }
0x275: {  	v46 =	vor.u32 $0x280, v11;
	v24 =	vld.idx.msk [tilespmem:v38+s13+$0x0], $0xffff;
	v22 =	vmul.f32 $2.500000000e-01, v22  }
0x276: {  	v47 =	vor.u32 $0x280, v15;
	v26 =	vld.idx.msk [tilespmem:v40+s13+$0x0], $0xffff  }
0x277: {  	v25 =	vadd.f32 v39, v41;
	v48 =	vld.idx.msk [tilespmem:v42+s13+$0x0], $0xffff;
	[tilespmem:s29+$0x200] =	vst v22  }
0x278: {  	v49 =	vor.u32 $0x280, v16;
	v22 =	vld.idx.msk [tilespmem:v44+s13+$0x0], $0xffff  }
0x279: {  	v25 =	vadd.f32 v43, v25;
	v23 =	vld.idx.msk [tilespmem:v45+s13+$0x0], $0xffff  }
0x27a: {  	v50 =	vld.idx.msk [tilespmem:v46+s13+$0x0], $0xffff  }
0x27b: {  	v51 =	vor.u32 $0x300, v4;
	v25 =	vadd.f32 v29, v25;
	v24 =	vadd.f32 v24, v26;
	v52 =	vld.idx.msk [tilespmem:v47+s13+$0x0], $0xffff  }
0x27c: {  	v21 =	vld.idx.msk [tilespmem:v21+s13+$0x0], $0xffff;
	v53 =	vor.u32 $0x300, v5  }
0x27d: {  	v54 =	vor.u32 $0x300, v6;
	v25 =	vmul.f32 $2.500000000e-01, v25;
	v27 =	vld.idx.msk [tilespmem:v49+s13+$0x0], $0xffff;
	v24 =	vadd.f32 v48, v24  }
0x27e: {  	v19 =	vld.idx.msk [tilespmem:v19+s13+$0x0], $0xffff;
	v55 =	vor.u32 $0x300, v7;
	v22 =	vadd.f32 v22, v23  }
0x27f: {  	v20 =	vld.idx.msk [tilespmem:v20+s13+$0x0], $0xffff;
	v57 =	vor.u32 $0x300, v9;
	[tilespmem:s26+$0x280] =	vst v25;
	v56 =	vadd.f32 v50, v24  }
0x280: {  	v58 =	vor.u32 $0x300, v8;
	v25 =	vld.idx.msk [tilespmem:v51+s13+$0x0], $0xffff;
	v22 =	vadd.f32 v52, v22  }
0x281: {  	v60 =	vor.u32 $0x300, v10;
	v59 =	vld.idx.msk [tilespmem:v53+s13+$0x0], $0xffff;
	v23 =	vmul.f32 $2.500000000e-01, v56  }
0x282: {  	v18 =	vadd.f32 v21, v18;
	v62 =	vor.u32 $0x300, v13;
	v61 =	vld.idx.msk [tilespmem:v54+s13+$0x0], $0xffff;
	v22 =	vadd.f32 v27, v22  }
0x283: {  	v63 =	vor.u32 $0x300, v14;
	v28 =	vld.idx.msk [tilespmem:v55+s13+$0x0], $0xffff;
	[tilespmem:s28+$0x280] =	vst v23  }
0x284: {  	v34 =	vor.u32 $0x300, v11;
	v18 =	vadd.f32 v19, v18;
	v33 =	vld.idx.msk [tilespmem:v57+s13+$0x0], $0xffff;
	v22 =	vmul.f32 $2.500000000e-01, v22  }
0x285: {  	v35 =	vor.u32 $0x300, v15;
	v29 =	vld.idx.msk [tilespmem:v58+s13+$0x0], $0xffff  }
0x286: {  	v0 =	vor.u32 $0x380, v0;
	v18 =	vadd.f32 v20, v18;
	v36 =	vld.idx.msk [tilespmem:v60+s13+$0x0], $0xffff;
	[tilespmem:s29+$0x280] =	vst v22  }
0x287: {  	v39 =	vor.u32 $0x300, v16;
	v37 =	vadd.f32 v59, v25;
	v38 =	vld.idx.msk [tilespmem:v62+s13+$0x0], $0xffff  }
0x288: {  	v1 =	vor.u32 $0x380, v1;
	v18 =	vmul.f32 $2.500000000e-01, v18;
	v23 =	vld.idx.msk [tilespmem:v63+s13+$0x0], $0xffff  }
0x289: {  	v3 =	vor.u32 $0x380, v3;
	v21 =	vadd.f32 v61, v37;
	v40 =	vld.idx.msk [tilespmem:v34+s13+$0x0], $0xffff  }
0x28a: {  	v2 =	vor.u32 $0x380, v2;
	[tilespmem:s25+$0x300] =	vst v18;
	v41 =	vld.idx.msk [tilespmem:v35+s13+$0x0], $0xffff  }
0x28b: {  	v0 =	vld.idx.msk [tilespmem:v0+s13+$0x0], $0xffff;
	v42 =	vor.u32 $0x380, v4;
	v21 =	vadd.f32 v28, v21;
	v19 =	vadd.f32 v29, v33  }
0x28c: {  	v43 =	vor.u32 $0x380, v5;
	v44 =	vor.u32 $0x380, v6;
	v45 =	vld.idx.msk [tilespmem:v39+s13+$0x0], $0xffff  }
0x28d: {  	v1 =	vld.idx.msk [tilespmem:v1+s13+$0x0], $0xffff;
	v21 =	vmul.f32 $2.500000000e-01, v21;
	v19 =	vadd.f32 v36, v19;
	v46 =	vadd.f32 v23, v38  }
0x28e: {  	v3 =	vld.idx.msk [tilespmem:v3+s13+$0x0], $0xffff;
	v47 =	vor.u32 $0x380, v7  }
0x28f: {  	v2 =	vld.idx.msk [tilespmem:v2+s13+$0x0], $0xffff;
	v48 =	vor.u32 $0x380, v9;
	[tilespmem:s26+$0x300] =	vst v21;
	v19 =	vadd.f32 v40, v19;
	v18 =	vadd.f32 v41, v46  }
0x290: {  	v49 =	vor.u32 $0x380, v8;
	v4 =	vld.idx.msk [tilespmem:v42+s13+$0x0], $0xffff  }
0x291: {  	v50 =	vor.u32 $0x380, v13;
	v5 =	vld.idx.msk [tilespmem:v43+s13+$0x0], $0xffff;
	v19 =	vmul.f32 $2.500000000e-01, v19;
	v18 =	vadd.f32 v45, v18  }
0x292: {  	v51 =	vor.u32 $0x380, v14;
	v6 =	vld.idx.msk [tilespmem:v44+s13+$0x0], $0xffff  }
0x293: {  	v52 =	vor.u32 $0x380, v10;
	v7 =	vld.idx.msk [tilespmem:v47+s13+$0x0], $0xffff;
	[tilespmem:s28+$0x300] =	vst v19;
	v18 =	vmul.f32 $2.500000000e-01, v18  }
0x294: {  	v53 =	vor.u32 $0x380, v15;
	v9 =	vld.idx.msk [tilespmem:v48+s13+$0x0], $0xffff  }
0x295: {  	v54 =	vor.u32 $0x380, v11;
	v8 =	vld.idx.msk [tilespmem:v49+s13+$0x0], $0xffff;
	[tilespmem:s29+$0x300] =	vst v18  }
0x296: {  	v55 =	vor.u32 $0x380, v16;
	v13 =	vld.idx.msk [tilespmem:v50+s13+$0x0], $0xffff  }
0x297: {  	v14 =	vld.idx.msk [tilespmem:v51+s13+$0x0], $0xffff  }
0x298: {  	v10 =	vld.idx.msk [tilespmem:v52+s13+$0x0], $0xffff  }
0x299: {  	v0 =	vadd.f32 v1, v0;
	v56 =	vld.idx.msk [tilespmem:v53+s13+$0x0], $0xffff  }
0x29a: {  	v4 =	vadd.f32 v5, v4;
	v57 =	vld.idx.msk [tilespmem:v54+s13+$0x0], $0xffff  }
0x29b: {  	v0 =	vadd.f32 v3, v0;
	v58 =	vadd.f32 v8, v9;
	v59 =	vld.idx.msk [tilespmem:v55+s13+$0x0], $0xffff  }
0x29c: {  	v4 =	vadd.f32 v6, v4;
	v60 =	vadd.f32 v14, v13  }
0x29d: {  	v0 =	vadd.f32 v2, v0;
	v61 =	vadd.f32 v10, v58  }
0x29e: {  	v62 =	vadd.f32 v7, v4;
	v1 =	vadd.f32 v56, v60  }
0x29f: {  	[tilespmem:s23+$0x380] =	vst v12;
	s21 =	sadd.s32 $0x1, s21;
	v0 =	vmul.f32 $2.500000000e-01, v0;
	v2 =	vadd.f32 v57, v61  }
0x2a0: {  	[tilespmem:s24+$0x380] =	vst v17;
	p0 =	sne.s32 s21, $0xA;
	v3 =	vmul.f32 $2.500000000e-01, v62;
	v1 =	vadd.f32 v59, v1  }
.Ltmp5:
0x2a1: {  	[tilespmem:s25+$0x380] =	vst v0;
	v63 =	vmul.f32 $2.500000000e-01, v2;
	(pc) =	sbr.rel @p0 .LBB2_2-.Ltmp5, $4  }
0x2a2: {  	[tilespmem:s26+$0x380] =	vst v3;
	v1 =	vmul.f32 $2.500000000e-01, v1  }
0x2a3: {  	s31 =	sshll.u32 s22, $0x8;
	[tilespmem:s28+$0x380] =	vst v63  }
0x2a4: {  	s0 =	sadd.s32 s4, s31;
	[tilespmem:s29+$0x380] =	vst v1  }
0x2a5: {  	[hbm4b:s0+s5] =	stream.linear.scatter [tilespmem:s18], [sflag:$0x4], $0x4000, $0x38;
	[tilespmem:$0x1A000] =	vst v63  }
0x2a6: {  	_ =	swait.ge [sflag:s19], $0x4000  }
0x2a7: {  	[sflag:s19] =	ssyncset.done $0x0  }
0x2a8: {  	[sflag:s19] =	ssyncadd.s32 $0xFFFFC000  }
0x2a9: {  	_ =	swait.ge [sflag:s17], $0x4000  }
0x2aa: {  	s20 =	sadd.s32 $0x1, s20;
	s0 =	rddreg [dreg:$0x5]  }
0x2ab: {  	p0 =	sne.s32 s20, s0  }
.Ltmp6:
0x2ac: {  	_ = 	snop;
	(pc) =	sbr.rel @p0 .LBB2_1-.Ltmp6, $3  }
0x2ad: {  	_ =	sdelay $0x1  }
0x2ae: {  	[sflag:s17] =	ssyncset.done $0x0  }
0x2af: {  	[sflag:s17] =	ssyncadd.s32 $0xFFFFC000  }
0x2b0: {  	_ =	sfence.sel $0x180000  }
0x2b1: {  	[bflag:$0x0] =	sbarrier.arrive $0xFFFF  }
0x2b2: {  	_ =	strace $0x90000047  }
0x2b3: {  	s0 =	stileid.u32;
	[bflag:$0x2] =	sbarrier.arrive $0xFFFF  }
0x2b4: {  	p0 =	sne.s32 s0, $0x0;
	s0 =	rddreg [dreg:$0x3]  }
0x2b5: {  	s0 =	sadd.s32 @!p0 $0x100000, s0  }
0x2b6: {  	[sflag:s0] =	ssyncadd.tile.s32 @!p0 $0x1;
	_ =	shalt  }
.Lfunc_end2:
_tile_overlayer_lowered:
.L_overlay_start_2:
0x2b7: {  	(tag) =	ssettag $0x2  }
0x2b8: {  	s0 =	rddreg [dreg:$0x0];
	s2 =	stileid.u32  }
0x2b9: {  	s1 =	rddreg [dreg:$0x1];
	p0 =	sne.s32 s2, $0x0  }
0x2ba: {  	s3 =	rddreg [dreg:$0x2];
	[bflag:$0x3] =	sbarrier.arrive $0xFFFF;
	s2 =	simm.s32 @!p0 $0x1C05  }
0x2bb: {  	[timem:s3], [sflag:s2] =	dma.local @!p0 [hbm:s0], s1  }
0x2bc: {  	s0 =	simm.s32 @!p0 $0x5  }
0x2bd: {  	_ =	swait.ge @!p0 [sflag:s0], s1  }
0x2be: {  	s1 =	ssub.s32 @!p0 $0x0, s1;
	[sflag:s0] =	ssyncset.done @!p0 $0x0  }
0x2bf: {  	[sflag:s0] =	ssyncadd.s32 @!p0 s1  }
0x2c0: {  	[bflag:$0x3] =	sbarrier.arrive $0xFFFF  }
0x2c1: {  	_ =	shalt  }

</sc_bundles>
